<compile_context>
chip_gen: v7x
topology: tpu7x:2x2x1
jax: 0.10.2.dev20260603
libtpu: 0.0.44.dev20260713+nightly
codegen_flags: <defaults>
</compile_context>

<pallas_src>
import functools

import jax
import jax.numpy as jnp
from jax import lax
from jax.experimental import pallas as pl
from jax.experimental.pallas import tpu as pltpu
from jax.experimental.pallas import tpu_sc as plsc

N = 10000
E = 320000
D = 128
H = 128
NPAD = 10240
NROW = NPAD // H
NTILES = 32
EPT = E // NTILES
C = 40
NCHUNK = EPT // C
G = 10
NG = NCHUNK // G
RPT = NPAD // 16


def _msg_body(x_ref, g_ref, b_ref, w_ref, bm_ref, o_ref):
    h = x_ref[...] * g_ref[...] + b_ref[...]
    o_ref[...] = jax.nn.gelu(
        jnp.dot(h, w_ref[...], preferred_element_type=jnp.float32)
        + bm_ref[...])


def _node_messages(x, g1, b1, w, bm):
    blk = 1000
    return pl.pallas_call(
        _msg_body,
        grid=(N // blk,),
        in_specs=[
            pl.BlockSpec((blk, D), lambda i: (i, 0)),
            pl.BlockSpec((1, D), lambda i: (0, 0)),
            pl.BlockSpec((1, D), lambda i: (0, 0)),
            pl.BlockSpec((D, H), lambda i: (0, 0)),
            pl.BlockSpec((1, H), lambda i: (0, 0)),
        ],
        out_specs=pl.BlockSpec((blk, H), lambda i: (i, 0)),
        out_shape=jax.ShapeDtypeStruct((N, H), jnp.float32),
    )(x, g1, b1, w, bm)


def _edge_body(at_ref, w_ref, be_ref, o_ref):
    m = lax.dot_general(at_ref[...], w_ref[...],
                        (((0,), (0,)), ((), ())),
                        preferred_element_type=jnp.float32)
    o_ref[...] = jax.nn.gelu(m + be_ref[...])


def _edge_messages(edge_attr_t, w, be):
    blk = 12800
    de = edge_attr_t.shape[0]
    return pl.pallas_call(
        _edge_body,
        grid=(E // blk,),
        in_specs=[
            pl.BlockSpec((de, blk), lambda i: (0, i)),
            pl.BlockSpec((de, H), lambda i: (0, 0)),
            pl.BlockSpec((1, H), lambda i: (0, 0)),
        ],
        out_specs=pl.BlockSpec((blk, H), lambda i: (i, 0)),
        out_shape=jax.ShapeDtypeStruct((E, H), jnp.float32),
    )(edge_attr_t, w, be)


_SC_MESH = plsc.VectorSubcoreMesh(core_axis_name="c", subcore_axis_name="s")


@functools.partial(
    pl.kernel,
    out_type=(jax.ShapeDtypeStruct((2, NPAD, H), jnp.float32),
              jax.ShapeDtypeStruct((NTILES, NROW, H), jnp.float32)),
    mesh=_SC_MESH,
    compiler_params=pltpu.CompilerParams(use_tc_tiling_on_sc=False,
                                         needs_layout_passes=False),
    scratch_types=[
        pltpu.VMEM((2, G, C), jnp.int32),
        pltpu.VMEM((2, G, C), jnp.int32),
        pltpu.VMEM((4, C, H), jnp.float32),
        pltpu.VMEM((3, C, H), jnp.float32),
        pltpu.VMEM((NROW, H), jnp.float32),
        pltpu.VMEM_SHARED((NPAD, H), jnp.float32),
        pltpu.SemaphoreType.DMA((2,)),
        pltpu.SemaphoreType.DMA((4,)),
        pltpu.SemaphoreType.DMA((3,)),
        pltpu.SemaphoreType.DMA((4,)),
    ],
)
def _sc_aggregate(y_hbm, er_hbm, src_hbm, dst_hbm, acc_hbm, hist_hbm,
                  src_v, dst_v, rows_v, er_v, hist_v, acc,
                  sem_i, sem_g, sem_e, sem_s):
    cid = lax.axis_index("c")
    sid = lax.axis_index("s")
    wid = cid * 16 + sid
    ebase = pl.multiple_of(wid * EPT, 8)

    zero16 = jnp.zeros((16,), jnp.float32)
    ones16 = jnp.ones((16,), jnp.float32)

    def _hzero(i, carry):
        for h in range(H // 16):
            hist_v[i, pl.ds(h * 16, 16)] = zero16
        return carry

    lax.fori_loop(0, NROW, _hzero, 0)

    def _ezero(i, carry):
        for h in range(H // 16):
            er_v[0, i, pl.ds(h * 16, 16)] = zero16
        return carry

    lax.fori_loop(0, C, _ezero, 0)

    def _zcopy(j, carry):
        pltpu.sync_copy(er_v.at[0], acc.at[pl.ds(sid * RPT + j * C, C)])
        return carry

    lax.fori_loop(0, RPT // C, _zcopy, 0)
    plsc.subcore_barrier()

    def issue_idxgrp(g, gslot):
        row = wid * NCHUNK + g * G
        pltpu.async_copy(src_hbm.at[pl.ds(row, G)], src_v.at[gslot],
                         sem_i.at[gslot])
        pltpu.async_copy(dst_hbm.at[pl.ds(row, G)], dst_v.at[gslot],
                         sem_i.at[gslot])

    def wait_idxgrp(gslot):
        pltpu.make_async_copy(src_hbm.at[pl.ds(0, G)], src_v.at[gslot],
                              sem_i.at[gslot]).wait()
        pltpu.make_async_copy(dst_hbm.at[pl.ds(0, G)], dst_v.at[gslot],
                              sem_i.at[gslot]).wait()

    def issue_fetch(gslot, k, r, j):
        off = pl.multiple_of(ebase + j * C, 8)
        pltpu.async_copy(y_hbm.at[src_v.at[gslot, k]], rows_v.at[r],
                         sem_g.at[r])
        pltpu.async_copy(er_hbm.at[pl.ds(off, C)], er_v.at[lax.rem(j, 3)],
                         sem_e.at[lax.rem(j, 3)])

    def wait_fetch(gslot, k, r, j):
        pltpu.make_async_copy(y_hbm.at[src_v.at[gslot, k]], rows_v.at[r],
                              sem_g.at[r]).wait()
        pltpu.make_async_copy(er_hbm.at[pl.ds(0, C)],
                              er_v.at[lax.rem(j, 3)],
                              sem_e.at[lax.rem(j, 3)]).wait()

    def issue_scatter(gslot, k, r):
        pltpu.async_copy(rows_v.at[r], acc.at[dst_v.at[gslot, k]],
                         sem_s.at[r], add=True)

    def wait_scatter(gslot, k, r):
        pltpu.make_async_copy(rows_v.at[r], acc.at[dst_v.at[gslot, k]],
                              sem_s.at[r]).wait()

    def slots(j):
        g = lax.div(j, G)
        return lax.rem(g, 2), lax.rem(j, G), lax.rem(j, 4)

    issue_idxgrp(0, 0)
    wait_idxgrp(0)
    issue_idxgrp(1, 1)
    issue_fetch(0, 0, 0, 0)
    issue_fetch(0, 1, 1, 1)

    tail_mask = lax.iota(jnp.int32, 16) >= (16 - C % 16)

    def _chunk(j, carry):
        gs, k, r = slots(j)
        g = lax.div(j, G)
        wait_fetch(gs, k, r, j)

        @pl.when(j >= 2)
        def _drain_prev():
            g2, k2, r2 = slots(j - 2)
            wait_scatter(g2, k2, r2)

        @pl.when(j < NCHUNK - 2)
        def _prefetch():
            gn, kn, rn = slots(j + 2)

            @pl.when(kn == 0)
            def _w():
                wait_idxgrp(gn)

            issue_fetch(gn, kn, rn, j + 2)

        @pl.when(jnp.logical_and(k == 2,
                                 jnp.logical_and(g >= 1, g < NG - 1)))
        def _prefetch_idx():
            issue_idxgrp(g + 1, lax.rem(g + 1, 2))

        e2 = lax.rem(j, 3)

        @plsc.parallel_loop(0, C, 1, unroll=4)
        def _mul(e):
            for h in range(H // 16):
                sl = pl.ds(h * 16, 16)
                rows_v[r, e, sl] = rows_v[r, e, sl] * er_v[e2, e, sl]

        for i in range(C // 16):
            d16 = dst_v[gs, k, pl.ds(i * 16, 16)]
            hi = lax.shift_right_logical(d16, 7)
            lo = lax.bitwise_and(d16, 127)
            plsc.addupdate_scatter(hist_v, [hi, lo], ones16)
        if C % 16:
            d16 = dst_v[gs, k, pl.ds(C - 16, 16)]
            hi = lax.shift_right_logical(d16, 7)
            lo = lax.bitwise_and(d16, 127)
            plsc.addupdate_scatter(hist_v, [hi, lo], ones16, mask=tail_mask)

        issue_scatter(gs, k, r)
        return carry

    lax.fori_loop(0, NCHUNK, _chunk, 0)
    g2, k2, r2 = slots(NCHUNK - 2)
    wait_scatter(g2, k2, r2)
    g2, k2, r2 = slots(NCHUNK - 1)
    wait_scatter(g2, k2, r2)
    plsc.subcore_barrier()

    pltpu.sync_copy(acc.at[pl.ds(sid * RPT, RPT)],
                    acc_hbm.at[cid, pl.ds(sid * RPT, RPT)])
    pltpu.sync_copy(hist_v, hist_hbm.at[wid])


def _comb_body(acc_ref, hist_ref, x_ref, g2x_ref, b2x_ref, g2a_ref, b2a_ref,
               wx_ref, wa_ref, bu_ref, o_ref):
    blk = o_ref.shape[0]
    nrow = blk // H
    num = acc_ref[0] + acc_ref[1]
    cnt = jnp.sum(hist_ref[...], axis=0)
    cnt = jnp.maximum(cnt, 1.0)[:, :, None]
    agg = num.reshape(nrow, H, H) / cnt
    agg = agg.reshape(blk, H)
    hx = x_ref[...] * g2x_ref[...] + b2x_ref[...]
    ha = agg * g2a_ref[...] + b2a_ref[...]
    o_ref[...] = jax.nn.gelu(
        jnp.dot(hx, wx_ref[...], preferred_element_type=jnp.float32)
        + jnp.dot(ha, wa_ref[...], preferred_element_type=jnp.float32)
        + bu_ref[...])


def _combine(acc, hist, x, g2x, b2x, g2a, b2a, wx, wa, bu):
    blk = 1024
    nrow = blk // H
    return pl.pallas_call(
        _comb_body,
        grid=(NPAD // blk,),
        in_specs=[
            pl.BlockSpec((2, blk, H), lambda i: (0, i, 0)),
            pl.BlockSpec((NTILES, nrow, H), lambda i: (0, i, 0)),
            pl.BlockSpec((blk, D), lambda i: (i, 0)),
            pl.BlockSpec((1, D), lambda i: (0, 0)),
            pl.BlockSpec((1, D), lambda i: (0, 0)),
            pl.BlockSpec((1, H), lambda i: (0, 0)),
            pl.BlockSpec((1, H), lambda i: (0, 0)),
            pl.BlockSpec((D, H), lambda i: (0, 0)),
            pl.BlockSpec((H, H), lambda i: (0, 0)),
            pl.BlockSpec((1, H), lambda i: (0, 0)),
        ],
        out_specs=pl.BlockSpec((blk, H), lambda i: (i, 0)),
        out_shape=jax.ShapeDtypeStruct((NPAD, H), jnp.float32),
    )(acc, hist, x, g2x, b2x, g2a, b2a, wx, wa, bu)


def kernel(x, edge_index, edge_attr, gamma1, beta1, W_msg, b_msg,
           W_edge, b_edge, gamma2, beta2, W_upd, b_upd):
    dst = edge_index[0]
    src = edge_index[1]

    y = _node_messages(x, gamma1.reshape(1, D), beta1.reshape(1, D),
                       W_msg, b_msg.reshape(1, H))
    er = _edge_messages(edge_attr.T, W_edge, b_edge.reshape(1, H))
    acc, hist = _sc_aggregate(y, er, src.reshape(E // C, C),
                              dst.reshape(E // C, C))
    out = _combine(acc, hist, x,
                   gamma2[:D].reshape(1, D), beta2[:D].reshape(1, D),
                   gamma2[D:].reshape(1, H), beta2[D:].reshape(1, H),
                   W_upd[:D], W_upd[D:], b_upd.reshape(1, H))
    return out[:N]

# --- scband reference (transcript-rebuilt; emitter-appended) ---
"""Pipeline reference for scband-gnnbase-layer-71648644432061 (READ-ONLY COPY).

The authoritative reference and input builder live on the scoring server;
editing this copy changes nothing except your own understanding.
"""

import jax, jax.numpy as jnp
import numpy as np

N = 10000
E = 320000
D = 128
DE = 16
H = 128


def setup_inputs(seed: int = 0) -> dict:
    key = jax.random.key(seed)
    ks = jax.random.split(key, 14)
    x = jax.random.normal(ks[0], (N, D), dtype=jnp.float32)
    edge_index = jax.random.randint(ks[1], (2, E), 0, N, dtype=jnp.int32)
    edge_attr = jax.random.normal(ks[2], (E, DE), dtype=jnp.float32)
    # message MLP (BatchNorm affine params in inference mode + Dense gelu)
    gamma1 = jnp.ones((D,), dtype=jnp.float32)
    beta1 = jnp.zeros((D,), dtype=jnp.float32)
    W_msg = jax.random.normal(ks[3], (D, H), dtype=jnp.float32) * 0.05
    b_msg = jnp.zeros((H,), dtype=jnp.float32)
    # edge transformer Dense gelu
    W_edge = jax.random.normal(ks[4], (DE, H), dtype=jnp.float32) * 0.05
    b_edge = jnp.zeros((H,), dtype=jnp.float32)
    # update MLP (concat -> BN affine -> Dense gelu)
    gamma2 = jnp.ones((D + H,), dtype=jnp.float32)
    beta2 = jnp.zeros((D + H,), dtype=jnp.float32)
    W_upd = jax.random.normal(ks[5], (D + H, H), dtype=jnp.float32) * 0.05
    b_upd = jnp.zeros((H,), dtype=jnp.float32)
    return {"x": x, "edge_index": edge_index, "edge_attr": edge_attr,
            "gamma1": gamma1, "beta1": beta1, "W_msg": W_msg, "b_msg": b_msg,
            "W_edge": W_edge, "b_edge": b_edge,
            "gamma2": gamma2, "beta2": beta2, "W_upd": W_upd, "b_upd": b_upd}


def reference(x, edge_index, edge_attr, gamma1, beta1, W_msg, b_msg,
              W_edge, b_edge, gamma2, beta2, W_upd, b_upd):
    n = x.shape[0]
    dst = edge_index[0]  # node_indices (aggregation target)
    src = edge_index[1]  # neighbour_indices (gather source)
    # gather neighbour representations
    neigh = jnp.take(x, src, axis=0)
    # base message: BatchNorm (inference affine) -> Dropout(eval=id) -> Dense(gelu)
    h = neigh * gamma1 + beta1
    messages = jax.nn.gelu(h @ W_msg + b_msg)
    # edge transformer: Dense(gelu), elementwise modulate messages
    edge_rep = jax.nn.gelu(edge_attr @ W_edge + b_edge)
    messages = messages * edge_rep
    # unsorted_segment_mean over dst
    num = jax.ops.segment_sum(messages, dst, num_segments=n)
    cnt = jax.ops.segment_sum(jnp.ones((dst.shape[0], 1), dtype=jnp.float32), dst, num_segments=n)
    agg = num / jnp.maximum(cnt, 1.0)
    # combination: concat, then update MLP (BN affine -> Dense gelu)
    hcat = jnp.concatenate([x, agg], axis=1)
    h2 = hcat * gamma2 + beta2
    out = jax.nn.gelu(h2 @ W_upd + b_upd)
    return out

if __name__ == "__main__":
    import jax
    _d = setup_inputs()
    print(jax.jit(kernel)(*tuple(_d.values())))

</pallas_src>

<mosaic_0001>
#map = affine_map<(d0, d1) -> (0, 0)>
#map1 = affine_map<(d0, d1) -> (0, 0, 0)>
module attributes {stable_mosaic.version = 14 : i64} {
  func.func @_sc_aggregate(%arg0: i32, %arg1: i32, %arg2: memref<10000x128xf32, #tpu.memory_space<hbm>>, %arg3: memref<320000x128xf32, #tpu.memory_space<hbm>>, %arg4: memref<8000x40xi32, #tpu.memory_space<hbm>>, %arg5: memref<8000x40xi32, #tpu.memory_space<hbm>>, %arg6: memref<2x10240x128xf32, #tpu.memory_space<hbm>>, %arg7: memref<32x80x128xf32, #tpu.memory_space<hbm>>, %arg8: memref<2x10x40xi32, #tpu.memory_space<vmem>>, %arg9: memref<2x10x40xi32, #tpu.memory_space<vmem>>, %arg10: memref<4x40x128xf32, #tpu.memory_space<vmem>>, %arg11: memref<3x40x128xf32, #tpu.memory_space<vmem>>, %arg12: memref<80x128xf32, #tpu.memory_space<vmem>>, %arg13: memref<10240x128xf32, #tpu.memory_space<vmem_shared>>, %arg14: memref<2x!tpu.dma_semaphore, #tpu.memory_space<semaphore_mem>>, %arg15: memref<4x!tpu.dma_semaphore, #tpu.memory_space<semaphore_mem>>, %arg16: memref<3x!tpu.dma_semaphore, #tpu.memory_space<semaphore_mem>>, %arg17: memref<4x!tpu.dma_semaphore, #tpu.memory_space<semaphore_mem>>) attributes {dimension_semantics = [#tpu.dimension_semantics<core_parallel>, #tpu.dimension_semantics<subcore_parallel>], iteration_bounds = array<i64: 2, 16>, scalar_prefetch = 0 : i64, scratch_operands = 10 : i64, tpu.core_type = #tpu.core_type<sc_vector_subcore>, window_params = [{transform_indices = #map}, {transform_indices = #map}, {transform_indices = #map}, {transform_indices = #map}, {transform_indices = #map1}, {transform_indices = #map1}]} {
    %mul3A = arith.constant 16 : i32
    %mul3A_0 = arith.muli %arg0, %mul3A : i32
    %add3A = arith.addi %mul3A_0, %arg1 : i32
    %mul3A_1 = arith.constant 10000 : i32
    %mul3A_2 = arith.muli %add3A, %mul3A_1 : i32
    %multiple_of3A = tpu.assume_multiple %mul3A_2, 8 : i32
    %broadcast_in_dim3A = arith.constant 0.000000e+00 : f32
    %broadcast_in_dim3A_3 = vector.broadcast %broadcast_in_dim3A : f32 to vector<16xf32>
    %broadcast_in_dim3A_4 = arith.constant 1.000000e+00 : f32
    %broadcast_in_dim3A_5 = vector.broadcast %broadcast_in_dim3A_4 : f32 to vector<16xf32>
    %scan3A = arith.constant 0 : i32
    %scan3A_6 = arith.constant 0 : i32
    %scan3A_7 = arith.constant 80 : i32
    %scan3A_8 = arith.addi %scan3A_6, %scan3A_7 : i32
    %scan3A_9 = arith.constant 1 : i32
    scf.for %scan3A_264 = %scan3A_6 to %scan3A_8 step %scan3A_9  : i32 {
      %swap3A = arith.index_cast %scan3A_264 : i32 to index
      %swap3A_265 = arith.constant 0 : index
      %swap3A_266 = tpu.vector_load %arg12[%swap3A, %swap3A_265] {strides = array<i32>} : memref<80x128xf32, #tpu.memory_space<vmem>>, vector<16xf32>,
      tpu.vector_store %arg12[%swap3A, %swap3A_265], %broadcast_in_dim3A_3 {strides = array<i32>} : memref<80x128xf32, #tpu.memory_space<vmem>>, vector<16xf32>,
      %swap3A_267 = arith.index_cast %scan3A_264 : i32 to index
      %swap3A_268 = arith.constant 16 : index
      %swap3A_269 = tpu.vector_load %arg12[%swap3A_267, %swap3A_268] {strides = array<i32>} : memref<80x128xf32, #tpu.memory_space<vmem>>, vector<16xf32>,
      tpu.vector_store %arg12[%swap3A_267, %swap3A_268], %broadcast_in_dim3A_3 {strides = array<i32>} : memref<80x128xf32, #tpu.memory_space<vmem>>, vector<16xf32>,
      %swap3A_270 = arith.index_cast %scan3A_264 : i32 to index
      %swap3A_271 = arith.constant 32 : index
      %swap3A_272 = tpu.vector_load %arg12[%swap3A_270, %swap3A_271] {strides = array<i32>} : memref<80x128xf32, #tpu.memory_space<vmem>>, vector<16xf32>,
      tpu.vector_store %arg12[%swap3A_270, %swap3A_271], %broadcast_in_dim3A_3 {strides = array<i32>} : memref<80x128xf32, #tpu.memory_space<vmem>>, vector<16xf32>,
      %swap3A_273 = arith.index_cast %scan3A_264 : i32 to index
      %swap3A_274 = arith.constant 48 : index
      %swap3A_275 = tpu.vector_load %arg12[%swap3A_273, %swap3A_274] {strides = array<i32>} : memref<80x128xf32, #tpu.memory_space<vmem>>, vector<16xf32>,
      tpu.vector_store %arg12[%swap3A_273, %swap3A_274], %broadcast_in_dim3A_3 {strides = array<i32>} : memref<80x128xf32, #tpu.memory_space<vmem>>, vector<16xf32>,
      %swap3A_276 = arith.index_cast %scan3A_264 : i32 to index
      %swap3A_277 = arith.constant 64 : index
      %swap3A_278 = tpu.vector_load %arg12[%swap3A_276, %swap3A_277] {strides = array<i32>} : memref<80x128xf32, #tpu.memory_space<vmem>>, vector<16xf32>,
      tpu.vector_store %arg12[%swap3A_276, %swap3A_277], %broadcast_in_dim3A_3 {strides = array<i32>} : memref<80x128xf32, #tpu.memory_space<vmem>>, vector<16xf32>,
      %swap3A_279 = arith.index_cast %scan3A_264 : i32 to index
      %swap3A_280 = arith.constant 80 : index
      %swap3A_281 = tpu.vector_load %arg12[%swap3A_279, %swap3A_280] {strides = array<i32>} : memref<80x128xf32, #tpu.memory_space<vmem>>, vector<16xf32>,
      tpu.vector_store %arg12[%swap3A_279, %swap3A_280], %broadcast_in_dim3A_3 {strides = array<i32>} : memref<80x128xf32, #tpu.memory_space<vmem>>, vector<16xf32>,
      %swap3A_282 = arith.index_cast %scan3A_264 : i32 to index
      %swap3A_283 = arith.constant 96 : index
      %swap3A_284 = tpu.vector_load %arg12[%swap3A_282, %swap3A_283] {strides = array<i32>} : memref<80x128xf32, #tpu.memory_space<vmem>>, vector<16xf32>,
      tpu.vector_store %arg12[%swap3A_282, %swap3A_283], %broadcast_in_dim3A_3 {strides = array<i32>} : memref<80x128xf32, #tpu.memory_space<vmem>>, vector<16xf32>,
      %swap3A_285 = arith.index_cast %scan3A_264 : i32 to index
      %swap3A_286 = arith.constant 112 : index
      %swap3A_287 = tpu.vector_load %arg12[%swap3A_285, %swap3A_286] {strides = array<i32>} : memref<80x128xf32, #tpu.memory_space<vmem>>, vector<16xf32>,
      tpu.vector_store %arg12[%swap3A_285, %swap3A_286], %broadcast_in_dim3A_3 {strides = array<i32>} : memref<80x128xf32, #tpu.memory_space<vmem>>, vector<16xf32>,
    }
    %scan3A_10 = arith.constant 80 : i32
    %scan3A_11 = arith.constant 0 : i32
    %scan3A_12 = arith.constant 0 : i32
    %scan3A_13 = arith.constant 40 : i32
    %scan3A_14 = arith.addi %scan3A_12, %scan3A_13 : i32
    %scan3A_15 = arith.constant 1 : i32
    scf.for %scan3A_264 = %scan3A_12 to %scan3A_14 step %scan3A_15  : i32 {
      %swap3A = arith.constant 0 : i32
      %swap3A_265 = arith.index_cast %swap3A : i32 to index
      %swap3A_266 = arith.index_cast %scan3A_264 : i32 to index
      %swap3A_267 = arith.constant 0 : index
      %swap3A_268 = tpu.vector_load %arg11[%swap3A_265, %swap3A_266, %swap3A_267] {strides = array<i32>} : memref<3x40x128xf32, #tpu.memory_space<vmem>>, vector<16xf32>,
      tpu.vector_store %arg11[%swap3A_265, %swap3A_266, %swap3A_267], %broadcast_in_dim3A_3 {strides = array<i32>} : memref<3x40x128xf32, #tpu.memory_space<vmem>>, vector<16xf32>,
      %swap3A_269 = arith.constant 0 : i32
      %swap3A_270 = arith.index_cast %swap3A_269 : i32 to index
      %swap3A_271 = arith.index_cast %scan3A_264 : i32 to index
      %swap3A_272 = arith.constant 16 : index
      %swap3A_273 = tpu.vector_load %arg11[%swap3A_270, %swap3A_271, %swap3A_272] {strides = array<i32>} : memref<3x40x128xf32, #tpu.memory_space<vmem>>, vector<16xf32>,
      tpu.vector_store %arg11[%swap3A_270, %swap3A_271, %swap3A_272], %broadcast_in_dim3A_3 {strides = array<i32>} : memref<3x40x128xf32, #tpu.memory_space<vmem>>, vector<16xf32>,
      %swap3A_274 = arith.constant 0 : i32
      %swap3A_275 = arith.index_cast %swap3A_274 : i32 to index
      %swap3A_276 = arith.index_cast %scan3A_264 : i32 to index
      %swap3A_277 = arith.constant 32 : index
      %swap3A_278 = tpu.vector_load %arg11[%swap3A_275, %swap3A_276, %swap3A_277] {strides = array<i32>} : memref<3x40x128xf32, #tpu.memory_space<vmem>>, vector<16xf32>,
      tpu.vector_store %arg11[%swap3A_275, %swap3A_276, %swap3A_277], %broadcast_in_dim3A_3 {strides = array<i32>} : memref<3x40x128xf32, #tpu.memory_space<vmem>>, vector<16xf32>,
      %swap3A_279 = arith.constant 0 : i32
      %swap3A_280 = arith.index_cast %swap3A_279 : i32 to index
      %swap3A_281 = arith.index_cast %scan3A_264 : i32 to index
      %swap3A_282 = arith.constant 48 : index
      %swap3A_283 = tpu.vector_load %arg11[%swap3A_280, %swap3A_281, %swap3A_282] {strides = array<i32>} : memref<3x40x128xf32, #tpu.memory_space<vmem>>, vector<16xf32>,
      tpu.vector_store %arg11[%swap3A_280, %swap3A_281, %swap3A_282], %broadcast_in_dim3A_3 {strides = array<i32>} : memref<3x40x128xf32, #tpu.memory_space<vmem>>, vector<16xf32>,
      %swap3A_284 = arith.constant 0 : i32
      %swap3A_285 = arith.index_cast %swap3A_284 : i32 to index
      %swap3A_286 = arith.index_cast %scan3A_264 : i32 to index
      %swap3A_287 = arith.constant 64 : index
      %swap3A_288 = tpu.vector_load %arg11[%swap3A_285, %swap3A_286, %swap3A_287] {strides = array<i32>} : memref<3x40x128xf32, #tpu.memory_space<vmem>>, vector<16xf32>,
      tpu.vector_store %arg11[%swap3A_285, %swap3A_286, %swap3A_287], %broadcast_in_dim3A_3 {strides = array<i32>} : memref<3x40x128xf32, #tpu.memory_space<vmem>>, vector<16xf32>,
      %swap3A_289 = arith.constant 0 : i32
      %swap3A_290 = arith.index_cast %swap3A_289 : i32 to index
      %swap3A_291 = arith.index_cast %scan3A_264 : i32 to index
      %swap3A_292 = arith.constant 80 : index
      %swap3A_293 = tpu.vector_load %arg11[%swap3A_290, %swap3A_291, %swap3A_292] {strides = array<i32>} : memref<3x40x128xf32, #tpu.memory_space<vmem>>, vector<16xf32>,
      tpu.vector_store %arg11[%swap3A_290, %swap3A_291, %swap3A_292], %broadcast_in_dim3A_3 {strides = array<i32>} : memref<3x40x128xf32, #tpu.memory_space<vmem>>, vector<16xf32>,
      %swap3A_294 = arith.constant 0 : i32
      %swap3A_295 = arith.index_cast %swap3A_294 : i32 to index
      %swap3A_296 = arith.index_cast %scan3A_264 : i32 to index
      %swap3A_297 = arith.constant 96 : index
      %swap3A_298 = tpu.vector_load %arg11[%swap3A_295, %swap3A_296, %swap3A_297] {strides = array<i32>} : memref<3x40x128xf32, #tpu.memory_space<vmem>>, vector<16xf32>,
      tpu.vector_store %arg11[%swap3A_295, %swap3A_296, %swap3A_297], %broadcast_in_dim3A_3 {strides = array<i32>} : memref<3x40x128xf32, #tpu.memory_space<vmem>>, vector<16xf32>,
      %swap3A_299 = arith.constant 0 : i32
      %swap3A_300 = arith.index_cast %swap3A_299 : i32 to index
      %swap3A_301 = arith.index_cast %scan3A_264 : i32 to index
      %swap3A_302 = arith.constant 112 : index
      %swap3A_303 = tpu.vector_load %arg11[%swap3A_300, %swap3A_301, %swap3A_302] {strides = array<i32>} : memref<3x40x128xf32, #tpu.memory_space<vmem>>, vector<16xf32>,
      tpu.vector_store %arg11[%swap3A_300, %swap3A_301, %swap3A_302], %broadcast_in_dim3A_3 {strides = array<i32>} : memref<3x40x128xf32, #tpu.memory_space<vmem>>, vector<16xf32>,
    }
    %scan3A_16 = arith.constant 40 : i32
    %scan3A_17 = arith.constant 0 : i32
    %scan3A_18 = arith.constant 0 : i32
    %scan3A_19 = arith.constant 16 : i32
    %scan3A_20 = arith.addi %scan3A_18, %scan3A_19 : i32
    %scan3A_21 = arith.constant 1 : i32
    scf.for %scan3A_264 = %scan3A_18 to %scan3A_20 step %scan3A_21  : i32 {
      %mul3A_265 = arith.constant 640 : i32
      %mul3A_266 = arith.muli %arg1, %mul3A_265 : i32
      %mul3A_267 = arith.constant 40 : i32
      %mul3A_268 = arith.muli %scan3A_264, %mul3A_267 : i32
      %add3A_269 = arith.addi %mul3A_266, %mul3A_268 : i32
      %run_scoped3A = arith.constant 0 : i32
      "tpu.region"() ({
        %run_scoped3A_270 = tpu.sem_alloc : memref<!tpu.dma_semaphore, #tpu.memory_space<semaphore_mem>>
        %dma_start3A_271 = arith.constant 0 : i32
        %dma_start3A_272 = arith.constant 0 : i32
        %dma_start3A_273 = tpu.memref_slice %arg11[%run_scoped3A, %dma_start3A_271, %dma_start3A_272] : memref<3x40x128xf32, #tpu.memory_space<vmem>> -> memref<1x40x128xf32, #tpu.memory_space<vmem>>
        %dma_start3A_274 = tpu.memref_squeeze %dma_start3A_273 : memref<1x40x128xf32, #tpu.memory_space<vmem>> -> memref<40x128xf32, #tpu.memory_space<vmem>>
        %dma_start3A_275 = arith.constant 0 : i32
        %dma_start3A_276 = tpu.memref_slice %arg13[%add3A_269, %dma_start3A_275] : memref<10240x128xf32, #tpu.memory_space<vmem_shared>> -> memref<40x128xf32, #tpu.memory_space<vmem_shared>>
        %dma_start3A_277 = arith.constant 0 : i32
        %dma_start3A_278 = tpu.memref_slice %arg13[%add3A_269, %dma_start3A_277] : memref<10240x128xf32, #tpu.memory_space<vmem_shared>> -> memref<40x128xf32, #tpu.memory_space<vmem_shared>>
        %dma_start3A_279 = arith.constant 0 : i32
        %dma_start3A_280 = arith.constant 0 : i32
        %dma_start3A_281 = tpu.memref_slice %arg11[%run_scoped3A, %dma_start3A_279, %dma_start3A_280] : memref<3x40x128xf32, #tpu.memory_space<vmem>> -> memref<1x40x128xf32, #tpu.memory_space<vmem>>
        %dma_start3A_282 = tpu.memref_squeeze %dma_start3A_281 : memref<1x40x128xf32, #tpu.memory_space<vmem>> -> memref<40x128xf32, #tpu.memory_space<vmem>>
        tpu.enqueue_dma source(%dma_start3A_282 : memref<40x128xf32, #tpu.memory_space<vmem>>) target(%dma_start3A_278 : memref<40x128xf32, #tpu.memory_space<vmem_shared>>) target_semaphore(%run_scoped3A_270 : memref<!tpu.dma_semaphore, #tpu.memory_space<semaphore_mem>>)
        %dma_wait3A_283 = arith.constant 0 : i32
        %dma_wait3A_284 = arith.constant 0 : i32
        %dma_wait3A_285 = tpu.memref_slice %arg11[%run_scoped3A, %dma_wait3A_283, %dma_wait3A_284] : memref<3x40x128xf32, #tpu.memory_space<vmem>> -> memref<1x40x128xf32, #tpu.memory_space<vmem>>
        %dma_wait3A_286 = tpu.memref_squeeze %dma_wait3A_285 : memref<1x40x128xf32, #tpu.memory_space<vmem>> -> memref<40x128xf32, #tpu.memory_space<vmem>>
        %dma_wait3A_287 = arith.constant 0 : i32
        %dma_wait3A_288 = tpu.memref_slice %arg13[%add3A_269, %dma_wait3A_287] : memref<10240x128xf32, #tpu.memory_space<vmem_shared>> -> memref<40x128xf32, #tpu.memory_space<vmem_shared>>
        %dma_wait3A_289 = arith.constant 0 : i32
        %dma_wait3A_290 = tpu.memref_slice %arg13[%add3A_269, %dma_wait3A_289] : memref<10240x128xf32, #tpu.memory_space<vmem_shared>> -> memref<40x128xf32, #tpu.memory_space<vmem_shared>>
        %dma_wait3A_291 = arith.constant 0 : i32
        %dma_wait3A_292 = arith.constant 0 : i32
        %dma_wait3A_293 = tpu.memref_slice %arg11[%run_scoped3A, %dma_wait3A_291, %dma_wait3A_292] : memref<3x40x128xf32, #tpu.memory_space<vmem>> -> memref<1x40x128xf32, #tpu.memory_space<vmem>>
        %dma_wait3A_294 = tpu.memref_squeeze %dma_wait3A_293 : memref<1x40x128xf32, #tpu.memory_space<vmem>> -> memref<40x128xf32, #tpu.memory_space<vmem>>
        tpu.wait_dma2 semaphore(%run_scoped3A_270 : memref<!tpu.dma_semaphore, #tpu.memory_space<semaphore_mem>>) src(%dma_wait3A_294 : memref<40x128xf32, #tpu.memory_space<vmem>>) dst(%dma_wait3A_290 : memref<40x128xf32, #tpu.memory_space<vmem_shared>>)
        tpu.yield
      }) : () -> ()
    }
    %scan3A_22 = arith.constant 16 : i32
    %barrier3A = arith.constant 0 : index
    tpu.barrier barrier_id(%barrier3A)
    %mul3A_23 = arith.constant 250 : i32
    %mul3A_24 = arith.muli %add3A, %mul3A_23 : i32
    %add3A_25 = arith.constant 0 : i32
    %add3A_26 = arith.addi %mul3A_24, %add3A_25 : i32
    %dma_start3A = arith.constant 0 : i32
    %dma_start3A_27 = arith.constant 0 : i32
    %dma_start3A_28 = arith.constant 0 : i32
    %dma_start3A_29 = arith.constant 0 : i32
    %dma_start3A_30 = tpu.memref_slice %arg8[%dma_start3A, %dma_start3A_28, %dma_start3A_29] : memref<2x10x40xi32, #tpu.memory_space<vmem>> -> memref<1x10x40xi32, #tpu.memory_space<vmem>>
    %dma_start3A_31 = tpu.memref_squeeze %dma_start3A_30 : memref<1x10x40xi32, #tpu.memory_space<vmem>> -> memref<10x40xi32, #tpu.memory_space<vmem>>
    %dma_start3A_32 = arith.constant 0 : i32
    %dma_start3A_33 = tpu.memref_slice %arg4[%add3A_26, %dma_start3A_32] : memref<8000x40xi32, #tpu.memory_space<hbm>> -> memref<10x40xi32, #tpu.memory_space<hbm>>
    %dma_start3A_34 = tpu.memref_slice %arg14[%dma_start3A_27] : memref<2x!tpu.dma_semaphore, #tpu.memory_space<semaphore_mem>> -> memref<1x!tpu.dma_semaphore, #tpu.memory_space<semaphore_mem>>
    %dma_start3A_35 = tpu.memref_squeeze %dma_start3A_34 : memref<1x!tpu.dma_semaphore, #tpu.memory_space<semaphore_mem>> -> memref<!tpu.dma_semaphore, #tpu.memory_space<semaphore_mem>>
    %dma_start3A_36 = arith.constant 0 : i32
    %dma_start3A_37 = arith.constant 0 : i32
    %dma_start3A_38 = tpu.memref_slice %arg8[%dma_start3A, %dma_start3A_36, %dma_start3A_37] : memref<2x10x40xi32, #tpu.memory_space<vmem>> -> memref<1x10x40xi32, #tpu.memory_space<vmem>>
    %dma_start3A_39 = tpu.memref_squeeze %dma_start3A_38 : memref<1x10x40xi32, #tpu.memory_space<vmem>> -> memref<10x40xi32, #tpu.memory_space<vmem>>
    %dma_start3A_40 = arith.constant 0 : i32
    %dma_start3A_41 = tpu.memref_slice %arg4[%add3A_26, %dma_start3A_40] : memref<8000x40xi32, #tpu.memory_space<hbm>> -> memref<10x40xi32, #tpu.memory_space<hbm>>
    tpu.enqueue_dma source(%dma_start3A_41 : memref<10x40xi32, #tpu.memory_space<hbm>>) target(%dma_start3A_39 : memref<10x40xi32, #tpu.memory_space<vmem>>) target_semaphore(%dma_start3A_35 : memref<!tpu.dma_semaphore, #tpu.memory_space<semaphore_mem>>)
    %dma_start3A_42 = arith.constant 0 : i32
    %dma_start3A_43 = arith.constant 0 : i32
    %dma_start3A_44 = arith.constant 0 : i32
    %dma_start3A_45 = arith.constant 0 : i32
    %dma_start3A_46 = tpu.memref_slice %arg9[%dma_start3A_42, %dma_start3A_44, %dma_start3A_45] : memref<2x10x40xi32, #tpu.memory_space<vmem>> -> memref<1x10x40xi32, #tpu.memory_space<vmem>>
    %dma_start3A_47 = tpu.memref_squeeze %dma_start3A_46 : memref<1x10x40xi32, #tpu.memory_space<vmem>> -> memref<10x40xi32, #tpu.memory_space<vmem>>
    %dma_start3A_48 = arith.constant 0 : i32
    %dma_start3A_49 = tpu.memref_slice %arg5[%add3A_26, %dma_start3A_48] : memref<8000x40xi32, #tpu.memory_space<hbm>> -> memref<10x40xi32, #tpu.memory_space<hbm>>
    %dma_start3A_50 = tpu.memref_slice %arg14[%dma_start3A_43] : memref<2x!tpu.dma_semaphore, #tpu.memory_space<semaphore_mem>> -> memref<1x!tpu.dma_semaphore, #tpu.memory_space<semaphore_mem>>
    %dma_start3A_51 = tpu.memref_squeeze %dma_start3A_50 : memref<1x!tpu.dma_semaphore, #tpu.memory_space<semaphore_mem>> -> memref<!tpu.dma_semaphore, #tpu.memory_space<semaphore_mem>>
    %dma_start3A_52 = arith.constant 0 : i32
    %dma_start3A_53 = arith.constant 0 : i32
    %dma_start3A_54 = tpu.memref_slice %arg9[%dma_start3A_42, %dma_start3A_52, %dma_start3A_53] : memref<2x10x40xi32, #tpu.memory_space<vmem>> -> memref<1x10x40xi32, #tpu.memory_space<vmem>>
    %dma_start3A_55 = tpu.memref_squeeze %dma_start3A_54 : memref<1x10x40xi32, #tpu.memory_space<vmem>> -> memref<10x40xi32, #tpu.memory_space<vmem>>
    %dma_start3A_56 = arith.constant 0 : i32
    %dma_start3A_57 = tpu.memref_slice %arg5[%add3A_26, %dma_start3A_56] : memref<8000x40xi32, #tpu.memory_space<hbm>> -> memref<10x40xi32, #tpu.memory_space<hbm>>
    tpu.enqueue_dma source(%dma_start3A_57 : memref<10x40xi32, #tpu.memory_space<hbm>>) target(%dma_start3A_55 : memref<10x40xi32, #tpu.memory_space<vmem>>) target_semaphore(%dma_start3A_51 : memref<!tpu.dma_semaphore, #tpu.memory_space<semaphore_mem>>)
    %dma_wait3A = arith.constant 0 : i32
    %dma_wait3A_58 = arith.constant 0 : i32
    %dma_wait3A_59 = arith.constant 0 : i32
    %dma_wait3A_60 = arith.constant 0 : i32
    %dma_wait3A_61 = tpu.memref_slice %arg8[%dma_wait3A, %dma_wait3A_59, %dma_wait3A_60] : memref<2x10x40xi32, #tpu.memory_space<vmem>> -> memref<1x10x40xi32, #tpu.memory_space<vmem>>
    %dma_wait3A_62 = tpu.memref_squeeze %dma_wait3A_61 : memref<1x10x40xi32, #tpu.memory_space<vmem>> -> memref<10x40xi32, #tpu.memory_space<vmem>>
    %dma_wait3A_63 = arith.constant 0 : i32
    %dma_wait3A_64 = arith.constant 0 : i32
    %dma_wait3A_65 = tpu.memref_slice %arg4[%dma_wait3A_63, %dma_wait3A_64] : memref<8000x40xi32, #tpu.memory_space<hbm>> -> memref<10x40xi32, #tpu.memory_space<hbm>>
    %dma_wait3A_66 = tpu.memref_slice %arg14[%dma_wait3A_58] : memref<2x!tpu.dma_semaphore, #tpu.memory_space<semaphore_mem>> -> memref<1x!tpu.dma_semaphore, #tpu.memory_space<semaphore_mem>>
    %dma_wait3A_67 = tpu.memref_squeeze %dma_wait3A_66 : memref<1x!tpu.dma_semaphore, #tpu.memory_space<semaphore_mem>> -> memref<!tpu.dma_semaphore, #tpu.memory_space<semaphore_mem>>
    %dma_wait3A_68 = arith.constant 0 : i32
    %dma_wait3A_69 = arith.constant 0 : i32
    %dma_wait3A_70 = tpu.memref_slice %arg8[%dma_wait3A, %dma_wait3A_68, %dma_wait3A_69] : memref<2x10x40xi32, #tpu.memory_space<vmem>> -> memref<1x10x40xi32, #tpu.memory_space<vmem>>
    %dma_wait3A_71 = tpu.memref_squeeze %dma_wait3A_70 : memref<1x10x40xi32, #tpu.memory_space<vmem>> -> memref<10x40xi32, #tpu.memory_space<vmem>>
    %dma_wait3A_72 = arith.constant 0 : i32
    %dma_wait3A_73 = arith.constant 0 : i32
    %dma_wait3A_74 = tpu.memref_slice %arg4[%dma_wait3A_72, %dma_wait3A_73] : memref<8000x40xi32, #tpu.memory_space<hbm>> -> memref<10x40xi32, #tpu.memory_space<hbm>>
    tpu.wait_dma2 semaphore(%dma_wait3A_67 : memref<!tpu.dma_semaphore, #tpu.memory_space<semaphore_mem>>) src(%dma_wait3A_74 : memref<10x40xi32, #tpu.memory_space<hbm>>) dst(%dma_wait3A_71 : memref<10x40xi32, #tpu.memory_space<vmem>>)
    %dma_wait3A_75 = arith.constant 0 : i32
    %dma_wait3A_76 = arith.constant 0 : i32
    %dma_wait3A_77 = arith.constant 0 : i32
    %dma_wait3A_78 = arith.constant 0 : i32
    %dma_wait3A_79 = tpu.memref_slice %arg9[%dma_wait3A_75, %dma_wait3A_77, %dma_wait3A_78] : memref<2x10x40xi32, #tpu.memory_space<vmem>> -> memref<1x10x40xi32, #tpu.memory_space<vmem>>
    %dma_wait3A_80 = tpu.memref_squeeze %dma_wait3A_79 : memref<1x10x40xi32, #tpu.memory_space<vmem>> -> memref<10x40xi32, #tpu.memory_space<vmem>>
    %dma_wait3A_81 = arith.constant 0 : i32
    %dma_wait3A_82 = arith.constant 0 : i32
    %dma_wait3A_83 = tpu.memref_slice %arg5[%dma_wait3A_81, %dma_wait3A_82] : memref<8000x40xi32, #tpu.memory_space<hbm>> -> memref<10x40xi32, #tpu.memory_space<hbm>>
    %dma_wait3A_84 = tpu.memref_slice %arg14[%dma_wait3A_76] : memref<2x!tpu.dma_semaphore, #tpu.memory_space<semaphore_mem>> -> memref<1x!tpu.dma_semaphore, #tpu.memory_space<semaphore_mem>>
    %dma_wait3A_85 = tpu.memref_squeeze %dma_wait3A_84 : memref<1x!tpu.dma_semaphore, #tpu.memory_space<semaphore_mem>> -> memref<!tpu.dma_semaphore, #tpu.memory_space<semaphore_mem>>
    %dma_wait3A_86 = arith.constant 0 : i32
    %dma_wait3A_87 = arith.constant 0 : i32
    %dma_wait3A_88 = tpu.memref_slice %arg9[%dma_wait3A_75, %dma_wait3A_86, %dma_wait3A_87] : memref<2x10x40xi32, #tpu.memory_space<vmem>> -> memref<1x10x40xi32, #tpu.memory_space<vmem>>
    %dma_wait3A_89 = tpu.memref_squeeze %dma_wait3A_88 : memref<1x10x40xi32, #tpu.memory_space<vmem>> -> memref<10x40xi32, #tpu.memory_space<vmem>>
    %dma_wait3A_90 = arith.constant 0 : i32
    %dma_wait3A_91 = arith.constant 0 : i32
    %dma_wait3A_92 = tpu.memref_slice %arg5[%dma_wait3A_90, %dma_wait3A_91] : memref<8000x40xi32, #tpu.memory_space<hbm>> -> memref<10x40xi32, #tpu.memory_space<hbm>>
    tpu.wait_dma2 semaphore(%dma_wait3A_85 : memref<!tpu.dma_semaphore, #tpu.memory_space<semaphore_mem>>) src(%dma_wait3A_92 : memref<10x40xi32, #tpu.memory_space<hbm>>) dst(%dma_wait3A_89 : memref<10x40xi32, #tpu.memory_space<vmem>>)
    %mul3A_93 = arith.constant 250 : i32
    %mul3A_94 = arith.muli %add3A, %mul3A_93 : i32
    %add3A_95 = arith.constant 10 : i32
    %add3A_96 = arith.addi %mul3A_94, %add3A_95 : i32
    %dma_start3A_97 = arith.constant 1 : i32
    %dma_start3A_98 = arith.constant 1 : i32
    %dma_start3A_99 = arith.constant 0 : i32
    %dma_start3A_100 = arith.constant 0 : i32
    %dma_start3A_101 = tpu.memref_slice %arg8[%dma_start3A_97, %dma_start3A_99, %dma_start3A_100] : memref<2x10x40xi32, #tpu.memory_space<vmem>> -> memref<1x10x40xi32, #tpu.memory_space<vmem>>
    %dma_start3A_102 = tpu.memref_squeeze %dma_start3A_101 : memref<1x10x40xi32, #tpu.memory_space<vmem>> -> memref<10x40xi32, #tpu.memory_space<vmem>>
    %dma_start3A_103 = arith.constant 0 : i32
    %dma_start3A_104 = tpu.memref_slice %arg4[%add3A_96, %dma_start3A_103] : memref<8000x40xi32, #tpu.memory_space<hbm>> -> memref<10x40xi32, #tpu.memory_space<hbm>>
    %dma_start3A_105 = tpu.memref_slice %arg14[%dma_start3A_98] : memref<2x!tpu.dma_semaphore, #tpu.memory_space<semaphore_mem>> -> memref<1x!tpu.dma_semaphore, #tpu.memory_space<semaphore_mem>>
    %dma_start3A_106 = tpu.memref_squeeze %dma_start3A_105 : memref<1x!tpu.dma_semaphore, #tpu.memory_space<semaphore_mem>> -> memref<!tpu.dma_semaphore, #tpu.memory_space<semaphore_mem>>
    %dma_start3A_107 = arith.constant 0 : i32
    %dma_start3A_108 = arith.constant 0 : i32
    %dma_start3A_109 = tpu.memref_slice %arg8[%dma_start3A_97, %dma_start3A_107, %dma_start3A_108] : memref<2x10x40xi32, #tpu.memory_space<vmem>> -> memref<1x10x40xi32, #tpu.memory_space<vmem>>
    %dma_start3A_110 = tpu.memref_squeeze %dma_start3A_109 : memref<1x10x40xi32, #tpu.memory_space<vmem>> -> memref<10x40xi32, #tpu.memory_space<vmem>>
    %dma_start3A_111 = arith.constant 0 : i32
    %dma_start3A_112 = tpu.memref_slice %arg4[%add3A_96, %dma_start3A_111] : memref<8000x40xi32, #tpu.memory_space<hbm>> -> memref<10x40xi32, #tpu.memory_space<hbm>>
    tpu.enqueue_dma source(%dma_start3A_112 : memref<10x40xi32, #tpu.memory_space<hbm>>) target(%dma_start3A_110 : memref<10x40xi32, #tpu.memory_space<vmem>>) target_semaphore(%dma_start3A_106 : memref<!tpu.dma_semaphore, #tpu.memory_space<semaphore_mem>>)
    %dma_start3A_113 = arith.constant 1 : i32
    %dma_start3A_114 = arith.constant 1 : i32
    %dma_start3A_115 = arith.constant 0 : i32
    %dma_start3A_116 = arith.constant 0 : i32
    %dma_start3A_117 = tpu.memref_slice %arg9[%dma_start3A_113, %dma_start3A_115, %dma_start3A_116] : memref<2x10x40xi32, #tpu.memory_space<vmem>> -> memref<1x10x40xi32, #tpu.memory_space<vmem>>
    %dma_start3A_118 = tpu.memref_squeeze %dma_start3A_117 : memref<1x10x40xi32, #tpu.memory_space<vmem>> -> memref<10x40xi32, #tpu.memory_space<vmem>>
    %dma_start3A_119 = arith.constant 0 : i32
    %dma_start3A_120 = tpu.memref_slice %arg5[%add3A_96, %dma_start3A_119] : memref<8000x40xi32, #tpu.memory_space<hbm>> -> memref<10x40xi32, #tpu.memory_space<hbm>>
    %dma_start3A_121 = tpu.memref_slice %arg14[%dma_start3A_114] : memref<2x!tpu.dma_semaphore, #tpu.memory_space<semaphore_mem>> -> memref<1x!tpu.dma_semaphore, #tpu.memory_space<semaphore_mem>>
    %dma_start3A_122 = tpu.memref_squeeze %dma_start3A_121 : memref<1x!tpu.dma_semaphore, #tpu.memory_space<semaphore_mem>> -> memref<!tpu.dma_semaphore, #tpu.memory_space<semaphore_mem>>
    %dma_start3A_123 = arith.constant 0 : i32
    %dma_start3A_124 = arith.constant 0 : i32
    %dma_start3A_125 = tpu.memref_slice %arg9[%dma_start3A_113, %dma_start3A_123, %dma_start3A_124] : memref<2x10x40xi32, #tpu.memory_space<vmem>> -> memref<1x10x40xi32, #tpu.memory_space<vmem>>
    %dma_start3A_126 = tpu.memref_squeeze %dma_start3A_125 : memref<1x10x40xi32, #tpu.memory_space<vmem>> -> memref<10x40xi32, #tpu.memory_space<vmem>>
    %dma_start3A_127 = arith.constant 0 : i32
    %dma_start3A_128 = tpu.memref_slice %arg5[%add3A_96, %dma_start3A_127] : memref<8000x40xi32, #tpu.memory_space<hbm>> -> memref<10x40xi32, #tpu.memory_space<hbm>>
    tpu.enqueue_dma source(%dma_start3A_128 : memref<10x40xi32, #tpu.memory_space<hbm>>) target(%dma_start3A_126 : memref<10x40xi32, #tpu.memory_space<vmem>>) target_semaphore(%dma_start3A_122 : memref<!tpu.dma_semaphore, #tpu.memory_space<semaphore_mem>>)
    %add3A_129 = arith.constant 0 : i32
    %add3A_130 = arith.addi %multiple_of3A, %add3A_129 : i32
    %multiple_of3A_131 = tpu.assume_multiple %add3A_130, 8 : i32
    %dma_start3A_132 = arith.constant 0 : i32
    %dma_start3A_133 = arith.constant 0 : i32
    %dma_start3A_134 = arith.constant 0 : i32
    %dma_start3A_135 = arith.constant 0 : i32
    %dma_start3A_136 = arith.constant 0 : i32
    %dma_start3A_137 = arith.constant 0 : i32
    %dma_start3A_138 = tpu.memref_slice %arg10[%dma_start3A_134, %dma_start3A_136, %dma_start3A_137] : memref<4x40x128xf32, #tpu.memory_space<vmem>> -> memref<1x40x128xf32, #tpu.memory_space<vmem>>
    %dma_start3A_139 = tpu.memref_squeeze %dma_start3A_138 : memref<1x40x128xf32, #tpu.memory_space<vmem>> -> memref<40x128xf32, #tpu.memory_space<vmem>>
    %dma_start3A_140 = arith.constant 0 : i32
    %dma_start3A_141 = tpu.memref_slice %arg8[%dma_start3A_132, %dma_start3A_133, %dma_start3A_140] : memref<2x10x40xi32, #tpu.memory_space<vmem>> -> memref<1x1x40xi32, #tpu.memory_space<vmem>>
    %dma_start3A_142 = tpu.memref_squeeze %dma_start3A_141 : memref<1x1x40xi32, #tpu.memory_space<vmem>> -> memref<40xi32, #tpu.memory_space<vmem>>
    %dma_start3A_143 = arith.constant 0 : i32
    %dma_start3A_144 = arith.constant 0 : i32
    %dma_start3A_145 = tpu.memref_slice %arg2[%dma_start3A_143, %dma_start3A_144] : memref<10000x128xf32, #tpu.memory_space<hbm>> -> memref<10000x128xf32, #tpu.memory_space<hbm>>
    %dma_start3A_146 = tpu.memref_slice %arg15[%dma_start3A_135] : memref<4x!tpu.dma_semaphore, #tpu.memory_space<semaphore_mem>> -> memref<1x!tpu.dma_semaphore, #tpu.memory_space<semaphore_mem>>
    %dma_start3A_147 = tpu.memref_squeeze %dma_start3A_146 : memref<1x!tpu.dma_semaphore, #tpu.memory_space<semaphore_mem>> -> memref<!tpu.dma_semaphore, #tpu.memory_space<semaphore_mem>>
    tpu.enqueue_indirect_dma source(%dma_start3A_145 : memref<10000x128xf32, #tpu.memory_space<hbm>>) target(%dma_start3A_139 : memref<40x128xf32, #tpu.memory_space<vmem>>) offsets(%dma_start3A_142 : memref<40xi32, #tpu.memory_space<vmem>>) semaphore(%dma_start3A_147 : memref<!tpu.dma_semaphore, #tpu.memory_space<semaphore_mem>>)
    %rem3A = arith.constant 0 : i32
    %rem3A_148 = arith.constant 3 : i32
    %rem3A_149 = arith.remsi %rem3A, %rem3A_148 : i32
    %rem3A_150 = arith.constant 0 : i32
    %rem3A_151 = arith.constant 3 : i32
    %rem3A_152 = arith.remsi %rem3A_150, %rem3A_151 : i32
    %dma_start3A_153 = arith.constant 0 : i32
    %dma_start3A_154 = arith.constant 0 : i32
    %dma_start3A_155 = tpu.memref_slice %arg11[%rem3A_149, %dma_start3A_153, %dma_start3A_154] : memref<3x40x128xf32, #tpu.memory_space<vmem>> -> memref<1x40x128xf32, #tpu.memory_space<vmem>>
    %dma_start3A_156 = tpu.memref_squeeze %dma_start3A_155 : memref<1x40x128xf32, #tpu.memory_space<vmem>> -> memref<40x128xf32, #tpu.memory_space<vmem>>
    %dma_start3A_157 = arith.constant 0 : i32
    %dma_start3A_158 = tpu.memref_slice %arg3[%multiple_of3A_131, %dma_start3A_157] : memref<320000x128xf32, #tpu.memory_space<hbm>> -> memref<40x128xf32, #tpu.memory_space<hbm>>
    %dma_start3A_159 = tpu.memref_slice %arg16[%rem3A_152] : memref<3x!tpu.dma_semaphore, #tpu.memory_space<semaphore_mem>> -> memref<1x!tpu.dma_semaphore, #tpu.memory_space<semaphore_mem>>
    %dma_start3A_160 = tpu.memref_squeeze %dma_start3A_159 : memref<1x!tpu.dma_semaphore, #tpu.memory_space<semaphore_mem>> -> memref<!tpu.dma_semaphore, #tpu.memory_space<semaphore_mem>>
    %dma_start3A_161 = arith.constant 0 : i32
    %dma_start3A_162 = arith.constant 0 : i32
    %dma_start3A_163 = tpu.memref_slice %arg11[%rem3A_149, %dma_start3A_161, %dma_start3A_162] : memref<3x40x128xf32, #tpu.memory_space<vmem>> -> memref<1x40x128xf32, #tpu.memory_space<vmem>>
    %dma_start3A_164 = tpu.memref_squeeze %dma_start3A_163 : memref<1x40x128xf32, #tpu.memory_space<vmem>> -> memref<40x128xf32, #tpu.memory_space<vmem>>
    %dma_start3A_165 = arith.constant 0 : i32
    %dma_start3A_166 = tpu.memref_slice %arg3[%multiple_of3A_131, %dma_start3A_165] : memref<320000x128xf32, #tpu.memory_space<hbm>> -> memref<40x128xf32, #tpu.memory_space<hbm>>
    tpu.enqueue_dma source(%dma_start3A_166 : memref<40x128xf32, #tpu.memory_space<hbm>>) target(%dma_start3A_164 : memref<40x128xf32, #tpu.memory_space<vmem>>) target_semaphore(%dma_start3A_160 : memref<!tpu.dma_semaphore, #tpu.memory_space<semaphore_mem>>)
    %add3A_167 = arith.constant 40 : i32
    %add3A_168 = arith.addi %multiple_of3A, %add3A_167 : i32
    %multiple_of3A_169 = tpu.assume_multiple %add3A_168, 8 : i32
    %dma_start3A_170 = arith.constant 0 : i32
    %dma_start3A_171 = arith.constant 1 : i32
    %dma_start3A_172 = arith.constant 1 : i32
    %dma_start3A_173 = arith.constant 1 : i32
    %dma_start3A_174 = arith.constant 0 : i32
    %dma_start3A_175 = arith.constant 0 : i32
    %dma_start3A_176 = tpu.memref_slice %arg10[%dma_start3A_172, %dma_start3A_174, %dma_start3A_175] : memref<4x40x128xf32, #tpu.memory_space<vmem>> -> memref<1x40x128xf32, #tpu.memory_space<vmem>>
    %dma_start3A_177 = tpu.memref_squeeze %dma_start3A_176 : memref<1x40x128xf32, #tpu.memory_space<vmem>> -> memref<40x128xf32, #tpu.memory_space<vmem>>
    %dma_start3A_178 = arith.constant 0 : i32
    %dma_start3A_179 = tpu.memref_slice %arg8[%dma_start3A_170, %dma_start3A_171, %dma_start3A_178] : memref<2x10x40xi32, #tpu.memory_space<vmem>> -> memref<1x1x40xi32, #tpu.memory_space<vmem>>
    %dma_start3A_180 = tpu.memref_squeeze %dma_start3A_179 : memref<1x1x40xi32, #tpu.memory_space<vmem>> -> memref<40xi32, #tpu.memory_space<vmem>>
    %dma_start3A_181 = arith.constant 0 : i32
    %dma_start3A_182 = arith.constant 0 : i32
    %dma_start3A_183 = tpu.memref_slice %arg2[%dma_start3A_181, %dma_start3A_182] : memref<10000x128xf32, #tpu.memory_space<hbm>> -> memref<10000x128xf32, #tpu.memory_space<hbm>>
    %dma_start3A_184 = tpu.memref_slice %arg15[%dma_start3A_173] : memref<4x!tpu.dma_semaphore, #tpu.memory_space<semaphore_mem>> -> memref<1x!tpu.dma_semaphore, #tpu.memory_space<semaphore_mem>>
    %dma_start3A_185 = tpu.memref_squeeze %dma_start3A_184 : memref<1x!tpu.dma_semaphore, #tpu.memory_space<semaphore_mem>> -> memref<!tpu.dma_semaphore, #tpu.memory_space<semaphore_mem>>
    tpu.enqueue_indirect_dma source(%dma_start3A_183 : memref<10000x128xf32, #tpu.memory_space<hbm>>) target(%dma_start3A_177 : memref<40x128xf32, #tpu.memory_space<vmem>>) offsets(%dma_start3A_180 : memref<40xi32, #tpu.memory_space<vmem>>) semaphore(%dma_start3A_185 : memref<!tpu.dma_semaphore, #tpu.memory_space<semaphore_mem>>)
    %rem3A_186 = arith.constant 1 : i32
    %rem3A_187 = arith.constant 3 : i32
    %rem3A_188 = arith.remsi %rem3A_186, %rem3A_187 : i32
    %rem3A_189 = arith.constant 1 : i32
    %rem3A_190 = arith.constant 3 : i32
    %rem3A_191 = arith.remsi %rem3A_189, %rem3A_190 : i32
    %dma_start3A_192 = arith.constant 0 : i32
    %dma_start3A_193 = arith.constant 0 : i32
    %dma_start3A_194 = tpu.memref_slice %arg11[%rem3A_188, %dma_start3A_192, %dma_start3A_193] : memref<3x40x128xf32, #tpu.memory_space<vmem>> -> memref<1x40x128xf32, #tpu.memory_space<vmem>>
    %dma_start3A_195 = tpu.memref_squeeze %dma_start3A_194 : memref<1x40x128xf32, #tpu.memory_space<vmem>> -> memref<40x128xf32, #tpu.memory_space<vmem>>
    %dma_start3A_196 = arith.constant 0 : i32
    %dma_start3A_197 = tpu.memref_slice %arg3[%multiple_of3A_169, %dma_start3A_196] : memref<320000x128xf32, #tpu.memory_space<hbm>> -> memref<40x128xf32, #tpu.memory_space<hbm>>
    %dma_start3A_198 = tpu.memref_slice %arg16[%rem3A_191] : memref<3x!tpu.dma_semaphore, #tpu.memory_space<semaphore_mem>> -> memref<1x!tpu.dma_semaphore, #tpu.memory_space<semaphore_mem>>
    %dma_start3A_199 = tpu.memref_squeeze %dma_start3A_198 : memref<1x!tpu.dma_semaphore, #tpu.memory_space<semaphore_mem>> -> memref<!tpu.dma_semaphore, #tpu.memory_space<semaphore_mem>>
    %dma_start3A_200 = arith.constant 0 : i32
    %dma_start3A_201 = arith.constant 0 : i32
    %dma_start3A_202 = tpu.memref_slice %arg11[%rem3A_188, %dma_start3A_200, %dma_start3A_201] : memref<3x40x128xf32, #tpu.memory_space<vmem>> -> memref<1x40x128xf32, #tpu.memory_space<vmem>>
    %dma_start3A_203 = tpu.memref_squeeze %dma_start3A_202 : memref<1x40x128xf32, #tpu.memory_space<vmem>> -> memref<40x128xf32, #tpu.memory_space<vmem>>
    %dma_start3A_204 = arith.constant 0 : i32
    %dma_start3A_205 = tpu.memref_slice %arg3[%multiple_of3A_169, %dma_start3A_204] : memref<320000x128xf32, #tpu.memory_space<hbm>> -> memref<40x128xf32, #tpu.memory_space<hbm>>
    tpu.enqueue_dma source(%dma_start3A_205 : memref<40x128xf32, #tpu.memory_space<hbm>>) target(%dma_start3A_203 : memref<40x128xf32, #tpu.memory_space<vmem>>) target_semaphore(%dma_start3A_199 : memref<!tpu.dma_semaphore, #tpu.memory_space<semaphore_mem>>)
    %iota3A = tpu.iota {dimensions = array<i32: 0>} : vector<16xi32>
    %ge3A = arith.constant 8 : i32
    %ge3A_206 = vector.broadcast %ge3A : i32 to vector<16xi32>
    %ge3A_207 = arith.cmpi sge, %iota3A, %ge3A_206 : vector<16xi32>
    %scan3A_208 = arith.constant 0 : i32
    %scan3A_209 = arith.constant 0 : i32
    %scan3A_210 = arith.constant 250 : i32
    %scan3A_211 = arith.addi %scan3A_209, %scan3A_210 : i32
    %scan3A_212 = arith.constant 1 : i32
    scf.for %scan3A_264 = %scan3A_209 to %scan3A_211 step %scan3A_212  : i32 {
      %div3A_265 = arith.constant 10 : i32
      %div3A_266 = arith.divsi %scan3A_264, %div3A_265 : i32
      %rem3A_267 = arith.constant 2 : i32
      %rem3A_268 = arith.remsi %div3A_266, %rem3A_267 : i32
      %rem3A_269 = arith.constant 10 : i32
      %rem3A_270 = arith.remsi %scan3A_264, %rem3A_269 : i32
      %rem3A_271 = arith.constant 4 : i32
      %rem3A_272 = arith.remsi %scan3A_264, %rem3A_271 : i32
      %div3A_273 = arith.constant 10 : i32
      %div3A_274 = arith.divsi %scan3A_264, %div3A_273 : i32
      %dma_wait3A_275 = arith.constant 0 : i32
      %dma_wait3A_276 = arith.constant 0 : i32
      %dma_wait3A_277 = tpu.memref_slice %arg10[%rem3A_272, %dma_wait3A_275, %dma_wait3A_276] : memref<4x40x128xf32, #tpu.memory_space<vmem>> -> memref<1x40x128xf32, #tpu.memory_space<vmem>>
      %dma_wait3A_278 = tpu.memref_squeeze %dma_wait3A_277 : memref<1x40x128xf32, #tpu.memory_space<vmem>> -> memref<40x128xf32, #tpu.memory_space<vmem>>
      %dma_wait3A_279 = arith.constant 0 : i32
      %dma_wait3A_280 = tpu.memref_slice %arg8[%rem3A_268, %rem3A_270, %dma_wait3A_279] : memref<2x10x40xi32, #tpu.memory_space<vmem>> -> memref<1x1x40xi32, #tpu.memory_space<vmem>>
      %dma_wait3A_281 = tpu.memref_squeeze %dma_wait3A_280 : memref<1x1x40xi32, #tpu.memory_space<vmem>> -> memref<40xi32, #tpu.memory_space<vmem>>
      %dma_wait3A_282 = arith.constant 0 : i32
      %dma_wait3A_283 = arith.constant 0 : i32
      %dma_wait3A_284 = tpu.memref_slice %arg2[%dma_wait3A_282, %dma_wait3A_283] : memref<10000x128xf32, #tpu.memory_space<hbm>> -> memref<10000x128xf32, #tpu.memory_space<hbm>>
      %dma_wait3A_285 = tpu.memref_slice %arg15[%rem3A_272] : memref<4x!tpu.dma_semaphore, #tpu.memory_space<semaphore_mem>> -> memref<1x!tpu.dma_semaphore, #tpu.memory_space<semaphore_mem>>
      %dma_wait3A_286 = tpu.memref_squeeze %dma_wait3A_285 : memref<1x!tpu.dma_semaphore, #tpu.memory_space<semaphore_mem>> -> memref<!tpu.dma_semaphore, #tpu.memory_space<semaphore_mem>>
      tpu.wait_indirect_dma semaphore(%dma_wait3A_286 : memref<!tpu.dma_semaphore, #tpu.memory_space<semaphore_mem>>) src(%dma_wait3A_284 : memref<10000x128xf32, #tpu.memory_space<hbm>>) dst(%dma_wait3A_278 : memref<40x128xf32, #tpu.memory_space<vmem>>)
      %rem3A_287 = arith.constant 3 : i32
      %rem3A_288 = arith.remsi %scan3A_264, %rem3A_287 : i32
      %rem3A_289 = arith.constant 3 : i32
      %rem3A_290 = arith.remsi %scan3A_264, %rem3A_289 : i32
      %dma_wait3A_291 = arith.constant 0 : i32
      %dma_wait3A_292 = arith.constant 0 : i32
      %dma_wait3A_293 = tpu.memref_slice %arg11[%rem3A_288, %dma_wait3A_291, %dma_wait3A_292] : memref<3x40x128xf32, #tpu.memory_space<vmem>> -> memref<1x40x128xf32, #tpu.memory_space<vmem>>
      %dma_wait3A_294 = tpu.memref_squeeze %dma_wait3A_293 : memref<1x40x128xf32, #tpu.memory_space<vmem>> -> memref<40x128xf32, #tpu.memory_space<vmem>>
      %dma_wait3A_295 = arith.constant 0 : i32
      %dma_wait3A_296 = arith.constant 0 : i32
      %dma_wait3A_297 = tpu.memref_slice %arg3[%dma_wait3A_295, %dma_wait3A_296] : memref<320000x128xf32, #tpu.memory_space<hbm>> -> memref<40x128xf32, #tpu.memory_space<hbm>>
      %dma_wait3A_298 = tpu.memref_slice %arg16[%rem3A_290] : memref<3x!tpu.dma_semaphore, #tpu.memory_space<semaphore_mem>> -> memref<1x!tpu.dma_semaphore, #tpu.memory_space<semaphore_mem>>
      %dma_wait3A_299 = tpu.memref_squeeze %dma_wait3A_298 : memref<1x!tpu.dma_semaphore, #tpu.memory_space<semaphore_mem>> -> memref<!tpu.dma_semaphore, #tpu.memory_space<semaphore_mem>>
      %dma_wait3A_300 = arith.constant 0 : i32
      %dma_wait3A_301 = arith.constant 0 : i32
      %dma_wait3A_302 = tpu.memref_slice %arg11[%rem3A_288, %dma_wait3A_300, %dma_wait3A_301] : memref<3x40x128xf32, #tpu.memory_space<vmem>> -> memref<1x40x128xf32, #tpu.memory_space<vmem>>
      %dma_wait3A_303 = tpu.memref_squeeze %dma_wait3A_302 : memref<1x40x128xf32, #tpu.memory_space<vmem>> -> memref<40x128xf32, #tpu.memory_space<vmem>>
      %dma_wait3A_304 = arith.constant 0 : i32
      %dma_wait3A_305 = arith.constant 0 : i32
      %dma_wait3A_306 = tpu.memref_slice %arg3[%dma_wait3A_304, %dma_wait3A_305] : memref<320000x128xf32, #tpu.memory_space<hbm>> -> memref<40x128xf32, #tpu.memory_space<hbm>>
      tpu.wait_dma2 semaphore(%dma_wait3A_299 : memref<!tpu.dma_semaphore, #tpu.memory_space<semaphore_mem>>) src(%dma_wait3A_306 : memref<40x128xf32, #tpu.memory_space<hbm>>) dst(%dma_wait3A_303 : memref<40x128xf32, #tpu.memory_space<vmem>>)
      %ge3A_307 = arith.constant 2 : i32
      %ge3A_308 = arith.cmpi sge, %scan3A_264, %ge3A_307 : i32
      %convert_element_type3A = arith.extui %ge3A_308 : i1 to i32
      %cond3A = arith.constant 0 : i32
      %cond3A_309 = arith.cmpi ne, %convert_element_type3A, %cond3A : i32
      scf.if %cond3A_309 {
        %sub3A = arith.constant 2 : i32
        %sub3A_367 = arith.subi %scan3A_264, %sub3A : i32
        %div3A_368 = arith.constant 10 : i32
        %div3A_369 = arith.divsi %sub3A_367, %div3A_368 : i32
        %rem3A_370 = arith.constant 2 : i32
        %rem3A_371 = arith.remsi %div3A_369, %rem3A_370 : i32
        %rem3A_372 = arith.constant 10 : i32
        %rem3A_373 = arith.remsi %sub3A_367, %rem3A_372 : i32
        %rem3A_374 = arith.constant 4 : i32
        %rem3A_375 = arith.remsi %sub3A_367, %rem3A_374 : i32
        %dma_wait3A_376 = arith.constant 0 : i32
        %dma_wait3A_377 = arith.constant 0 : i32
        %dma_wait3A_378 = tpu.memref_slice %arg10[%rem3A_375, %dma_wait3A_376, %dma_wait3A_377] : memref<4x40x128xf32, #tpu.memory_space<vmem>> -> memref<1x40x128xf32, #tpu.memory_space<vmem>>
        %dma_wait3A_379 = tpu.memref_squeeze %dma_wait3A_378 : memref<1x40x128xf32, #tpu.memory_space<vmem>> -> memref<40x128xf32, #tpu.memory_space<vmem>>
        %dma_wait3A_380 = arith.constant 0 : i32
        %dma_wait3A_381 = tpu.memref_slice %arg9[%rem3A_371, %rem3A_373, %dma_wait3A_380] : memref<2x10x40xi32, #tpu.memory_space<vmem>> -> memref<1x1x40xi32, #tpu.memory_space<vmem>>
        %dma_wait3A_382 = tpu.memref_squeeze %dma_wait3A_381 : memref<1x1x40xi32, #tpu.memory_space<vmem>> -> memref<40xi32, #tpu.memory_space<vmem>>
        %dma_wait3A_383 = arith.constant 0 : i32
        %dma_wait3A_384 = arith.constant 0 : i32
        %dma_wait3A_385 = tpu.memref_slice %arg13[%dma_wait3A_383, %dma_wait3A_384] : memref<10240x128xf32, #tpu.memory_space<vmem_shared>> -> memref<10240x128xf32, #tpu.memory_space<vmem_shared>>
        %dma_wait3A_386 = tpu.memref_slice %arg17[%rem3A_375] : memref<4x!tpu.dma_semaphore, #tpu.memory_space<semaphore_mem>> -> memref<1x!tpu.dma_semaphore, #tpu.memory_space<semaphore_mem>>
        %dma_wait3A_387 = tpu.memref_squeeze %dma_wait3A_386 : memref<1x!tpu.dma_semaphore, #tpu.memory_space<semaphore_mem>> -> memref<!tpu.dma_semaphore, #tpu.memory_space<semaphore_mem>>
        tpu.wait_indirect_dma semaphore(%dma_wait3A_387 : memref<!tpu.dma_semaphore, #tpu.memory_space<semaphore_mem>>) src(%dma_wait3A_379 : memref<40x128xf32, #tpu.memory_space<vmem>>) dst(%dma_wait3A_385 : memref<10240x128xf32, #tpu.memory_space<vmem_shared>>)
      } else {
      }
      %lt3A = arith.constant 248 : i32
      %lt3A_310 = arith.cmpi slt, %scan3A_264, %lt3A : i32
      %convert_element_type3A_311 = arith.extui %lt3A_310 : i1 to i32
      %cond3A_312 = arith.constant 0 : i32
      %cond3A_313 = arith.cmpi ne, %convert_element_type3A_311, %cond3A_312 : i32
      scf.if %cond3A_313 {
        %add3A_367 = arith.constant 2 : i32
        %add3A_368 = arith.addi %scan3A_264, %add3A_367 : i32
        %div3A_369 = arith.constant 10 : i32
        %div3A_370 = arith.divsi %add3A_368, %div3A_369 : i32
        %rem3A_371 = arith.constant 2 : i32
        %rem3A_372 = arith.remsi %div3A_370, %rem3A_371 : i32
        %rem3A_373 = arith.constant 10 : i32
        %rem3A_374 = arith.remsi %add3A_368, %rem3A_373 : i32
        %rem3A_375 = arith.constant 4 : i32
        %rem3A_376 = arith.remsi %add3A_368, %rem3A_375 : i32
        %eq3A_377 = arith.constant 0 : i32
        %eq3A_378 = arith.cmpi eq, %rem3A_374, %eq3A_377 : i32
        %convert_element_type3A_379 = arith.extui %eq3A_378 : i1 to i32
        %cond3A_380 = arith.constant 0 : i32
        %cond3A_381 = arith.cmpi ne, %convert_element_type3A_379, %cond3A_380 : i32
        scf.if %cond3A_381 {
          %dma_wait3A_418 = arith.constant 0 : i32
          %dma_wait3A_419 = arith.constant 0 : i32
          %dma_wait3A_420 = tpu.memref_slice %arg8[%rem3A_372, %dma_wait3A_418, %dma_wait3A_419] : memref<2x10x40xi32, #tpu.memory_space<vmem>> -> memref<1x10x40xi32, #tpu.memory_space<vmem>>
          %dma_wait3A_421 = tpu.memref_squeeze %dma_wait3A_420 : memref<1x10x40xi32, #tpu.memory_space<vmem>> -> memref<10x40xi32, #tpu.memory_space<vmem>>
          %dma_wait3A_422 = arith.constant 0 : i32
          %dma_wait3A_423 = arith.constant 0 : i32
          %dma_wait3A_424 = tpu.memref_slice %arg4[%dma_wait3A_422, %dma_wait3A_423] : memref<8000x40xi32, #tpu.memory_space<hbm>> -> memref<10x40xi32, #tpu.memory_space<hbm>>
          %dma_wait3A_425 = tpu.memref_slice %arg14[%rem3A_372] : memref<2x!tpu.dma_semaphore, #tpu.memory_space<semaphore_mem>> -> memref<1x!tpu.dma_semaphore, #tpu.memory_space<semaphore_mem>>
          %dma_wait3A_426 = tpu.memref_squeeze %dma_wait3A_425 : memref<1x!tpu.dma_semaphore, #tpu.memory_space<semaphore_mem>> -> memref<!tpu.dma_semaphore, #tpu.memory_space<semaphore_mem>>
          %dma_wait3A_427 = arith.constant 0 : i32
          %dma_wait3A_428 = arith.constant 0 : i32
          %dma_wait3A_429 = tpu.memref_slice %arg8[%rem3A_372, %dma_wait3A_427, %dma_wait3A_428] : memref<2x10x40xi32, #tpu.memory_space<vmem>> -> memref<1x10x40xi32, #tpu.memory_space<vmem>>
          %dma_wait3A_430 = tpu.memref_squeeze %dma_wait3A_429 : memref<1x10x40xi32, #tpu.memory_space<vmem>> -> memref<10x40xi32, #tpu.memory_space<vmem>>
          %dma_wait3A_431 = arith.constant 0 : i32
          %dma_wait3A_432 = arith.constant 0 : i32
          %dma_wait3A_433 = tpu.memref_slice %arg4[%dma_wait3A_431, %dma_wait3A_432] : memref<8000x40xi32, #tpu.memory_space<hbm>> -> memref<10x40xi32, #tpu.memory_space<hbm>>
          tpu.wait_dma2 semaphore(%dma_wait3A_426 : memref<!tpu.dma_semaphore, #tpu.memory_space<semaphore_mem>>) src(%dma_wait3A_433 : memref<10x40xi32, #tpu.memory_space<hbm>>) dst(%dma_wait3A_430 : memref<10x40xi32, #tpu.memory_space<vmem>>)
          %dma_wait3A_434 = arith.constant 0 : i32
          %dma_wait3A_435 = arith.constant 0 : i32
          %dma_wait3A_436 = tpu.memref_slice %arg9[%rem3A_372, %dma_wait3A_434, %dma_wait3A_435] : memref<2x10x40xi32, #tpu.memory_space<vmem>> -> memref<1x10x40xi32, #tpu.memory_space<vmem>>
          %dma_wait3A_437 = tpu.memref_squeeze %dma_wait3A_436 : memref<1x10x40xi32, #tpu.memory_space<vmem>> -> memref<10x40xi32, #tpu.memory_space<vmem>>
          %dma_wait3A_438 = arith.constant 0 : i32
          %dma_wait3A_439 = arith.constant 0 : i32
          %dma_wait3A_440 = tpu.memref_slice %arg5[%dma_wait3A_438, %dma_wait3A_439] : memref<8000x40xi32, #tpu.memory_space<hbm>> -> memref<10x40xi32, #tpu.memory_space<hbm>>
          %dma_wait3A_441 = tpu.memref_slice %arg14[%rem3A_372] : memref<2x!tpu.dma_semaphore, #tpu.memory_space<semaphore_mem>> -> memref<1x!tpu.dma_semaphore, #tpu.memory_space<semaphore_mem>>
          %dma_wait3A_442 = tpu.memref_squeeze %dma_wait3A_441 : memref<1x!tpu.dma_semaphore, #tpu.memory_space<semaphore_mem>> -> memref<!tpu.dma_semaphore, #tpu.memory_space<semaphore_mem>>
          %dma_wait3A_443 = arith.constant 0 : i32
          %dma_wait3A_444 = arith.constant 0 : i32
          %dma_wait3A_445 = tpu.memref_slice %arg9[%rem3A_372, %dma_wait3A_443, %dma_wait3A_444] : memref<2x10x40xi32, #tpu.memory_space<vmem>> -> memref<1x10x40xi32, #tpu.memory_space<vmem>>
          %dma_wait3A_446 = tpu.memref_squeeze %dma_wait3A_445 : memref<1x10x40xi32, #tpu.memory_space<vmem>> -> memref<10x40xi32, #tpu.memory_space<vmem>>
          %dma_wait3A_447 = arith.constant 0 : i32
          %dma_wait3A_448 = arith.constant 0 : i32
          %dma_wait3A_449 = tpu.memref_slice %arg5[%dma_wait3A_447, %dma_wait3A_448] : memref<8000x40xi32, #tpu.memory_space<hbm>> -> memref<10x40xi32, #tpu.memory_space<hbm>>
          tpu.wait_dma2 semaphore(%dma_wait3A_442 : memref<!tpu.dma_semaphore, #tpu.memory_space<semaphore_mem>>) src(%dma_wait3A_449 : memref<10x40xi32, #tpu.memory_space<hbm>>) dst(%dma_wait3A_446 : memref<10x40xi32, #tpu.memory_space<vmem>>)
        } else {
        }
        %add3A_382 = arith.constant 2 : i32
        %add3A_383 = arith.addi %scan3A_264, %add3A_382 : i32
        %mul3A_384 = arith.constant 40 : i32
        %mul3A_385 = arith.muli %add3A_383, %mul3A_384 : i32
        %add3A_386 = arith.addi %multiple_of3A, %mul3A_385 : i32
        %multiple_of3A_387 = tpu.assume_multiple %add3A_386, 8 : i32
        %dma_start3A_388 = arith.constant 0 : i32
        %dma_start3A_389 = arith.constant 0 : i32
        %dma_start3A_390 = tpu.memref_slice %arg10[%rem3A_376, %dma_start3A_388, %dma_start3A_389] : memref<4x40x128xf32, #tpu.memory_space<vmem>> -> memref<1x40x128xf32, #tpu.memory_space<vmem>>
        %dma_start3A_391 = tpu.memref_squeeze %dma_start3A_390 : memref<1x40x128xf32, #tpu.memory_space<vmem>> -> memref<40x128xf32, #tpu.memory_space<vmem>>
        %dma_start3A_392 = arith.constant 0 : i32
        %dma_start3A_393 = tpu.memref_slice %arg8[%rem3A_372, %rem3A_374, %dma_start3A_392] : memref<2x10x40xi32, #tpu.memory_space<vmem>> -> memref<1x1x40xi32, #tpu.memory_space<vmem>>
        %dma_start3A_394 = tpu.memref_squeeze %dma_start3A_393 : memref<1x1x40xi32, #tpu.memory_space<vmem>> -> memref<40xi32, #tpu.memory_space<vmem>>
        %dma_start3A_395 = arith.constant 0 : i32
        %dma_start3A_396 = arith.constant 0 : i32
        %dma_start3A_397 = tpu.memref_slice %arg2[%dma_start3A_395, %dma_start3A_396] : memref<10000x128xf32, #tpu.memory_space<hbm>> -> memref<10000x128xf32, #tpu.memory_space<hbm>>
        %dma_start3A_398 = tpu.memref_slice %arg15[%rem3A_376] : memref<4x!tpu.dma_semaphore, #tpu.memory_space<semaphore_mem>> -> memref<1x!tpu.dma_semaphore, #tpu.memory_space<semaphore_mem>>
        %dma_start3A_399 = tpu.memref_squeeze %dma_start3A_398 : memref<1x!tpu.dma_semaphore, #tpu.memory_space<semaphore_mem>> -> memref<!tpu.dma_semaphore, #tpu.memory_space<semaphore_mem>>
        tpu.enqueue_indirect_dma source(%dma_start3A_397 : memref<10000x128xf32, #tpu.memory_space<hbm>>) target(%dma_start3A_391 : memref<40x128xf32, #tpu.memory_space<vmem>>) offsets(%dma_start3A_394 : memref<40xi32, #tpu.memory_space<vmem>>) semaphore(%dma_start3A_399 : memref<!tpu.dma_semaphore, #tpu.memory_space<semaphore_mem>>)
        %rem3A_400 = arith.constant 3 : i32
        %rem3A_401 = arith.remsi %add3A_383, %rem3A_400 : i32
        %rem3A_402 = arith.constant 3 : i32
        %rem3A_403 = arith.remsi %add3A_383, %rem3A_402 : i32
        %dma_start3A_404 = arith.constant 0 : i32
        %dma_start3A_405 = arith.constant 0 : i32
        %dma_start3A_406 = tpu.memref_slice %arg11[%rem3A_401, %dma_start3A_404, %dma_start3A_405] : memref<3x40x128xf32, #tpu.memory_space<vmem>> -> memref<1x40x128xf32, #tpu.memory_space<vmem>>
        %dma_start3A_407 = tpu.memref_squeeze %dma_start3A_406 : memref<1x40x128xf32, #tpu.memory_space<vmem>> -> memref<40x128xf32, #tpu.memory_space<vmem>>
        %dma_start3A_408 = arith.constant 0 : i32
        %dma_start3A_409 = tpu.memref_slice %arg3[%multiple_of3A_387, %dma_start3A_408] : memref<320000x128xf32, #tpu.memory_space<hbm>> -> memref<40x128xf32, #tpu.memory_space<hbm>>
        %dma_start3A_410 = tpu.memref_slice %arg16[%rem3A_403] : memref<3x!tpu.dma_semaphore, #tpu.memory_space<semaphore_mem>> -> memref<1x!tpu.dma_semaphore, #tpu.memory_space<semaphore_mem>>
        %dma_start3A_411 = tpu.memref_squeeze %dma_start3A_410 : memref<1x!tpu.dma_semaphore, #tpu.memory_space<semaphore_mem>> -> memref<!tpu.dma_semaphore, #tpu.memory_space<semaphore_mem>>
        %dma_start3A_412 = arith.constant 0 : i32
        %dma_start3A_413 = arith.constant 0 : i32
        %dma_start3A_414 = tpu.memref_slice %arg11[%rem3A_401, %dma_start3A_412, %dma_start3A_413] : memref<3x40x128xf32, #tpu.memory_space<vmem>> -> memref<1x40x128xf32, #tpu.memory_space<vmem>>
        %dma_start3A_415 = tpu.memref_squeeze %dma_start3A_414 : memref<1x40x128xf32, #tpu.memory_space<vmem>> -> memref<40x128xf32, #tpu.memory_space<vmem>>
        %dma_start3A_416 = arith.constant 0 : i32
        %dma_start3A_417 = tpu.memref_slice %arg3[%multiple_of3A_387, %dma_start3A_416] : memref<320000x128xf32, #tpu.memory_space<hbm>> -> memref<40x128xf32, #tpu.memory_space<hbm>>
        tpu.enqueue_dma source(%dma_start3A_417 : memref<40x128xf32, #tpu.memory_space<hbm>>) target(%dma_start3A_415 : memref<40x128xf32, #tpu.memory_space<vmem>>) target_semaphore(%dma_start3A_411 : memref<!tpu.dma_semaphore, #tpu.memory_space<semaphore_mem>>)
      } else {
      }
      %eq3A = arith.constant 2 : i32
      %eq3A_314 = arith.cmpi eq, %rem3A_270, %eq3A : i32
      %ge3A_315 = arith.constant 1 : i32
      %ge3A_316 = arith.cmpi sge, %div3A_274, %ge3A_315 : i32
      %lt3A_317 = arith.constant 24 : i32
      %lt3A_318 = arith.cmpi slt, %div3A_274, %lt3A_317 : i32
      %and3A = arith.andi %ge3A_316, %lt3A_318 : i1
      %and3A_319 = arith.andi %eq3A_314, %and3A : i1
      %convert_element_type3A_320 = arith.extui %and3A_319 : i1 to i32
      %cond3A_321 = arith.constant 0 : i32
      %cond3A_322 = arith.cmpi ne, %convert_element_type3A_320, %cond3A_321 : i32
      scf.if %cond3A_322 {
        %add3A_367 = arith.constant 1 : i32
        %add3A_368 = arith.addi %div3A_274, %add3A_367 : i32
        %add3A_369 = arith.constant 1 : i32
        %add3A_370 = arith.addi %div3A_274, %add3A_369 : i32
        %rem3A_371 = arith.constant 2 : i32
        %rem3A_372 = arith.remsi %add3A_370, %rem3A_371 : i32
        %mul3A_373 = arith.constant 250 : i32
        %mul3A_374 = arith.muli %add3A, %mul3A_373 : i32
        %mul3A_375 = arith.constant 10 : i32
        %mul3A_376 = arith.muli %add3A_368, %mul3A_375 : i32
        %add3A_377 = arith.addi %mul3A_374, %mul3A_376 : i32
        %dma_start3A_378 = arith.constant 0 : i32
        %dma_start3A_379 = arith.constant 0 : i32
        %dma_start3A_380 = tpu.memref_slice %arg8[%rem3A_372, %dma_start3A_378, %dma_start3A_379] : memref<2x10x40xi32, #tpu.memory_space<vmem>> -> memref<1x10x40xi32, #tpu.memory_space<vmem>>
        %dma_start3A_381 = tpu.memref_squeeze %dma_start3A_380 : memref<1x10x40xi32, #tpu.memory_space<vmem>> -> memref<10x40xi32, #tpu.memory_space<vmem>>
        %dma_start3A_382 = arith.constant 0 : i32
        %dma_start3A_383 = tpu.memref_slice %arg4[%add3A_377, %dma_start3A_382] : memref<8000x40xi32, #tpu.memory_space<hbm>> -> memref<10x40xi32, #tpu.memory_space<hbm>>
        %dma_start3A_384 = tpu.memref_slice %arg14[%rem3A_372] : memref<2x!tpu.dma_semaphore, #tpu.memory_space<semaphore_mem>> -> memref<1x!tpu.dma_semaphore, #tpu.memory_space<semaphore_mem>>
        %dma_start3A_385 = tpu.memref_squeeze %dma_start3A_384 : memref<1x!tpu.dma_semaphore, #tpu.memory_space<semaphore_mem>> -> memref<!tpu.dma_semaphore, #tpu.memory_space<semaphore_mem>>
        %dma_start3A_386 = arith.constant 0 : i32
        %dma_start3A_387 = arith.constant 0 : i32
        %dma_start3A_388 = tpu.memref_slice %arg8[%rem3A_372, %dma_start3A_386, %dma_start3A_387] : memref<2x10x40xi32, #tpu.memory_space<vmem>> -> memref<1x10x40xi32, #tpu.memory_space<vmem>>
        %dma_start3A_389 = tpu.memref_squeeze %dma_start3A_388 : memref<1x10x40xi32, #tpu.memory_space<vmem>> -> memref<10x40xi32, #tpu.memory_space<vmem>>
        %dma_start3A_390 = arith.constant 0 : i32
        %dma_start3A_391 = tpu.memref_slice %arg4[%add3A_377, %dma_start3A_390] : memref<8000x40xi32, #tpu.memory_space<hbm>> -> memref<10x40xi32, #tpu.memory_space<hbm>>
        tpu.enqueue_dma source(%dma_start3A_391 : memref<10x40xi32, #tpu.memory_space<hbm>>) target(%dma_start3A_389 : memref<10x40xi32, #tpu.memory_space<vmem>>) target_semaphore(%dma_start3A_385 : memref<!tpu.dma_semaphore, #tpu.memory_space<semaphore_mem>>)
        %dma_start3A_392 = arith.constant 0 : i32
        %dma_start3A_393 = arith.constant 0 : i32
        %dma_start3A_394 = tpu.memref_slice %arg9[%rem3A_372, %dma_start3A_392, %dma_start3A_393] : memref<2x10x40xi32, #tpu.memory_space<vmem>> -> memref<1x10x40xi32, #tpu.memory_space<vmem>>
        %dma_start3A_395 = tpu.memref_squeeze %dma_start3A_394 : memref<1x10x40xi32, #tpu.memory_space<vmem>> -> memref<10x40xi32, #tpu.memory_space<vmem>>
        %dma_start3A_396 = arith.constant 0 : i32
        %dma_start3A_397 = tpu.memref_slice %arg5[%add3A_377, %dma_start3A_396] : memref<8000x40xi32, #tpu.memory_space<hbm>> -> memref<10x40xi32, #tpu.memory_space<hbm>>
        %dma_start3A_398 = tpu.memref_slice %arg14[%rem3A_372] : memref<2x!tpu.dma_semaphore, #tpu.memory_space<semaphore_mem>> -> memref<1x!tpu.dma_semaphore, #tpu.memory_space<semaphore_mem>>
        %dma_start3A_399 = tpu.memref_squeeze %dma_start3A_398 : memref<1x!tpu.dma_semaphore, #tpu.memory_space<semaphore_mem>> -> memref<!tpu.dma_semaphore, #tpu.memory_space<semaphore_mem>>
        %dma_start3A_400 = arith.constant 0 : i32
        %dma_start3A_401 = arith.constant 0 : i32
        %dma_start3A_402 = tpu.memref_slice %arg9[%rem3A_372, %dma_start3A_400, %dma_start3A_401] : memref<2x10x40xi32, #tpu.memory_space<vmem>> -> memref<1x10x40xi32, #tpu.memory_space<vmem>>
        %dma_start3A_403 = tpu.memref_squeeze %dma_start3A_402 : memref<1x10x40xi32, #tpu.memory_space<vmem>> -> memref<10x40xi32, #tpu.memory_space<vmem>>
        %dma_start3A_404 = arith.constant 0 : i32
        %dma_start3A_405 = tpu.memref_slice %arg5[%add3A_377, %dma_start3A_404] : memref<8000x40xi32, #tpu.memory_space<hbm>> -> memref<10x40xi32, #tpu.memory_space<hbm>>
        tpu.enqueue_dma source(%dma_start3A_405 : memref<10x40xi32, #tpu.memory_space<hbm>>) target(%dma_start3A_403 : memref<10x40xi32, #tpu.memory_space<vmem>>) target_semaphore(%dma_start3A_399 : memref<!tpu.dma_semaphore, #tpu.memory_space<semaphore_mem>>)
      } else {
      }
      %rem3A_323 = arith.constant 3 : i32
      %rem3A_324 = arith.remsi %scan3A_264, %rem3A_323 : i32
      %parallel_loop3A = arith.constant 0 : i32
      %parallel_loop3A_325 = arith.constant 40 : i32
      %parallel_loop3A_326 = arith.constant 1 : i32
      scf.for %parallel_loop3A_367 = %parallel_loop3A to %parallel_loop3A_325 step %parallel_loop3A_326  : i32 {
        %parallel_loop3A_368 = arith.index_cast %rem3A_272 : i32 to index
        %parallel_loop3A_369 = arith.index_cast %parallel_loop3A_367 : i32 to index
        %parallel_loop3A_370 = arith.constant 0 : index
        %parallel_loop3A_371 = tpu.vector_load %arg10[%parallel_loop3A_368, %parallel_loop3A_369, %parallel_loop3A_370] {strides = array<i32>} : memref<4x40x128xf32, #tpu.memory_space<vmem>>, vector<16xf32>,
        %parallel_loop3A_372 = arith.index_cast %rem3A_324 : i32 to index
        %parallel_loop3A_373 = arith.index_cast %parallel_loop3A_367 : i32 to index
        %parallel_loop3A_374 = arith.constant 0 : index
        %parallel_loop3A_375 = tpu.vector_load %arg11[%parallel_loop3A_372, %parallel_loop3A_373, %parallel_loop3A_374] {strides = array<i32>} : memref<3x40x128xf32, #tpu.memory_space<vmem>>, vector<16xf32>,
        %parallel_loop3A_376 = arith.mulf %parallel_loop3A_371, %parallel_loop3A_375 : vector<16xf32>
        %parallel_loop3A_377 = arith.index_cast %rem3A_272 : i32 to index
        %parallel_loop3A_378 = arith.index_cast %parallel_loop3A_367 : i32 to index
        %parallel_loop3A_379 = arith.constant 0 : index
        %parallel_loop3A_380 = tpu.vector_load %arg10[%parallel_loop3A_377, %parallel_loop3A_378, %parallel_loop3A_379] {strides = array<i32>} : memref<4x40x128xf32, #tpu.memory_space<vmem>>, vector<16xf32>,
        tpu.vector_store %arg10[%parallel_loop3A_377, %parallel_loop3A_378, %parallel_loop3A_379], %parallel_loop3A_376 {strides = array<i32>} : memref<4x40x128xf32, #tpu.memory_space<vmem>>, vector<16xf32>,
        %parallel_loop3A_381 = arith.index_cast %rem3A_272 : i32 to index
        %parallel_loop3A_382 = arith.index_cast %parallel_loop3A_367 : i32 to index
        %parallel_loop3A_383 = arith.constant 16 : index
        %parallel_loop3A_384 = tpu.vector_load %arg10[%parallel_loop3A_381, %parallel_loop3A_382, %parallel_loop3A_383] {strides = array<i32>} : memref<4x40x128xf32, #tpu.memory_space<vmem>>, vector<16xf32>,
        %parallel_loop3A_385 = arith.index_cast %rem3A_324 : i32 to index
        %parallel_loop3A_386 = arith.index_cast %parallel_loop3A_367 : i32 to index
        %parallel_loop3A_387 = arith.constant 16 : index
        %parallel_loop3A_388 = tpu.vector_load %arg11[%parallel_loop3A_385, %parallel_loop3A_386, %parallel_loop3A_387] {strides = array<i32>} : memref<3x40x128xf32, #tpu.memory_space<vmem>>, vector<16xf32>,
        %parallel_loop3A_389 = arith.mulf %parallel_loop3A_384, %parallel_loop3A_388 : vector<16xf32>
        %parallel_loop3A_390 = arith.index_cast %rem3A_272 : i32 to index
        %parallel_loop3A_391 = arith.index_cast %parallel_loop3A_367 : i32 to index
        %parallel_loop3A_392 = arith.constant 16 : index
        %parallel_loop3A_393 = tpu.vector_load %arg10[%parallel_loop3A_390, %parallel_loop3A_391, %parallel_loop3A_392] {strides = array<i32>} : memref<4x40x128xf32, #tpu.memory_space<vmem>>, vector<16xf32>,
        tpu.vector_store %arg10[%parallel_loop3A_390, %parallel_loop3A_391, %parallel_loop3A_392], %parallel_loop3A_389 {strides = array<i32>} : memref<4x40x128xf32, #tpu.memory_space<vmem>>, vector<16xf32>,
        %parallel_loop3A_394 = arith.index_cast %rem3A_272 : i32 to index
        %parallel_loop3A_395 = arith.index_cast %parallel_loop3A_367 : i32 to index
        %parallel_loop3A_396 = arith.constant 32 : index
        %parallel_loop3A_397 = tpu.vector_load %arg10[%parallel_loop3A_394, %parallel_loop3A_395, %parallel_loop3A_396] {strides = array<i32>} : memref<4x40x128xf32, #tpu.memory_space<vmem>>, vector<16xf32>,
        %parallel_loop3A_398 = arith.index_cast %rem3A_324 : i32 to index
        %parallel_loop3A_399 = arith.index_cast %parallel_loop3A_367 : i32 to index
        %parallel_loop3A_400 = arith.constant 32 : index
        %parallel_loop3A_401 = tpu.vector_load %arg11[%parallel_loop3A_398, %parallel_loop3A_399, %parallel_loop3A_400] {strides = array<i32>} : memref<3x40x128xf32, #tpu.memory_space<vmem>>, vector<16xf32>,
        %parallel_loop3A_402 = arith.mulf %parallel_loop3A_397, %parallel_loop3A_401 : vector<16xf32>
        %parallel_loop3A_403 = arith.index_cast %rem3A_272 : i32 to index
        %parallel_loop3A_404 = arith.index_cast %parallel_loop3A_367 : i32 to index
        %parallel_loop3A_405 = arith.constant 32 : index
        %parallel_loop3A_406 = tpu.vector_load %arg10[%parallel_loop3A_403, %parallel_loop3A_404, %parallel_loop3A_405] {strides = array<i32>} : memref<4x40x128xf32, #tpu.memory_space<vmem>>, vector<16xf32>,
        tpu.vector_store %arg10[%parallel_loop3A_403, %parallel_loop3A_404, %parallel_loop3A_405], %parallel_loop3A_402 {strides = array<i32>} : memref<4x40x128xf32, #tpu.memory_space<vmem>>, vector<16xf32>,
        %parallel_loop3A_407 = arith.index_cast %rem3A_272 : i32 to index
        %parallel_loop3A_408 = arith.index_cast %parallel_loop3A_367 : i32 to index
        %parallel_loop3A_409 = arith.constant 48 : index
        %parallel_loop3A_410 = tpu.vector_load %arg10[%parallel_loop3A_407, %parallel_loop3A_408, %parallel_loop3A_409] {strides = array<i32>} : memref<4x40x128xf32, #tpu.memory_space<vmem>>, vector<16xf32>,
        %parallel_loop3A_411 = arith.index_cast %rem3A_324 : i32 to index
        %parallel_loop3A_412 = arith.index_cast %parallel_loop3A_367 : i32 to index
        %parallel_loop3A_413 = arith.constant 48 : index
        %parallel_loop3A_414 = tpu.vector_load %arg11[%parallel_loop3A_411, %parallel_loop3A_412, %parallel_loop3A_413] {strides = array<i32>} : memref<3x40x128xf32, #tpu.memory_space<vmem>>, vector<16xf32>,
        %parallel_loop3A_415 = arith.mulf %parallel_loop3A_410, %parallel_loop3A_414 : vector<16xf32>
        %parallel_loop3A_416 = arith.index_cast %rem3A_272 : i32 to index
        %parallel_loop3A_417 = arith.index_cast %parallel_loop3A_367 : i32 to index
        %parallel_loop3A_418 = arith.constant 48 : index
        %parallel_loop3A_419 = tpu.vector_load %arg10[%parallel_loop3A_416, %parallel_loop3A_417, %parallel_loop3A_418] {strides = array<i32>} : memref<4x40x128xf32, #tpu.memory_space<vmem>>, vector<16xf32>,
        tpu.vector_store %arg10[%parallel_loop3A_416, %parallel_loop3A_417, %parallel_loop3A_418], %parallel_loop3A_415 {strides = array<i32>} : memref<4x40x128xf32, #tpu.memory_space<vmem>>, vector<16xf32>,
        %parallel_loop3A_420 = arith.index_cast %rem3A_272 : i32 to index
        %parallel_loop3A_421 = arith.index_cast %parallel_loop3A_367 : i32 to index
        %parallel_loop3A_422 = arith.constant 64 : index
        %parallel_loop3A_423 = tpu.vector_load %arg10[%parallel_loop3A_420, %parallel_loop3A_421, %parallel_loop3A_422] {strides = array<i32>} : memref<4x40x128xf32, #tpu.memory_space<vmem>>, vector<16xf32>,
        %parallel_loop3A_424 = arith.index_cast %rem3A_324 : i32 to index
        %parallel_loop3A_425 = arith.index_cast %parallel_loop3A_367 : i32 to index
        %parallel_loop3A_426 = arith.constant 64 : index
        %parallel_loop3A_427 = tpu.vector_load %arg11[%parallel_loop3A_424, %parallel_loop3A_425, %parallel_loop3A_426] {strides = array<i32>} : memref<3x40x128xf32, #tpu.memory_space<vmem>>, vector<16xf32>,
        %parallel_loop3A_428 = arith.mulf %parallel_loop3A_423, %parallel_loop3A_427 : vector<16xf32>
        %parallel_loop3A_429 = arith.index_cast %rem3A_272 : i32 to index
        %parallel_loop3A_430 = arith.index_cast %parallel_loop3A_367 : i32 to index
        %parallel_loop3A_431 = arith.constant 64 : index
        %parallel_loop3A_432 = tpu.vector_load %arg10[%parallel_loop3A_429, %parallel_loop3A_430, %parallel_loop3A_431] {strides = array<i32>} : memref<4x40x128xf32, #tpu.memory_space<vmem>>, vector<16xf32>,
        tpu.vector_store %arg10[%parallel_loop3A_429, %parallel_loop3A_430, %parallel_loop3A_431], %parallel_loop3A_428 {strides = array<i32>} : memref<4x40x128xf32, #tpu.memory_space<vmem>>, vector<16xf32>,
        %parallel_loop3A_433 = arith.index_cast %rem3A_272 : i32 to index
        %parallel_loop3A_434 = arith.index_cast %parallel_loop3A_367 : i32 to index
        %parallel_loop3A_435 = arith.constant 80 : index
        %parallel_loop3A_436 = tpu.vector_load %arg10[%parallel_loop3A_433, %parallel_loop3A_434, %parallel_loop3A_435] {strides = array<i32>} : memref<4x40x128xf32, #tpu.memory_space<vmem>>, vector<16xf32>,
        %parallel_loop3A_437 = arith.index_cast %rem3A_324 : i32 to index
        %parallel_loop3A_438 = arith.index_cast %parallel_loop3A_367 : i32 to index
        %parallel_loop3A_439 = arith.constant 80 : index
        %parallel_loop3A_440 = tpu.vector_load %arg11[%parallel_loop3A_437, %parallel_loop3A_438, %parallel_loop3A_439] {strides = array<i32>} : memref<3x40x128xf32, #tpu.memory_space<vmem>>, vector<16xf32>,
        %parallel_loop3A_441 = arith.mulf %parallel_loop3A_436, %parallel_loop3A_440 : vector<16xf32>
        %parallel_loop3A_442 = arith.index_cast %rem3A_272 : i32 to index
        %parallel_loop3A_443 = arith.index_cast %parallel_loop3A_367 : i32 to index
        %parallel_loop3A_444 = arith.constant 80 : index
        %parallel_loop3A_445 = tpu.vector_load %arg10[%parallel_loop3A_442, %parallel_loop3A_443, %parallel_loop3A_444] {strides = array<i32>} : memref<4x40x128xf32, #tpu.memory_space<vmem>>, vector<16xf32>,
        tpu.vector_store %arg10[%parallel_loop3A_442, %parallel_loop3A_443, %parallel_loop3A_444], %parallel_loop3A_441 {strides = array<i32>} : memref<4x40x128xf32, #tpu.memory_space<vmem>>, vector<16xf32>,
        %parallel_loop3A_446 = arith.index_cast %rem3A_272 : i32 to index
        %parallel_loop3A_447 = arith.index_cast %parallel_loop3A_367 : i32 to index
        %parallel_loop3A_448 = arith.constant 96 : index
        %parallel_loop3A_449 = tpu.vector_load %arg10[%parallel_loop3A_446, %parallel_loop3A_447, %parallel_loop3A_448] {strides = array<i32>} : memref<4x40x128xf32, #tpu.memory_space<vmem>>, vector<16xf32>,
        %parallel_loop3A_450 = arith.index_cast %rem3A_324 : i32 to index
        %parallel_loop3A_451 = arith.index_cast %parallel_loop3A_367 : i32 to index
        %parallel_loop3A_452 = arith.constant 96 : index
        %parallel_loop3A_453 = tpu.vector_load %arg11[%parallel_loop3A_450, %parallel_loop3A_451, %parallel_loop3A_452] {strides = array<i32>} : memref<3x40x128xf32, #tpu.memory_space<vmem>>, vector<16xf32>,
        %parallel_loop3A_454 = arith.mulf %parallel_loop3A_449, %parallel_loop3A_453 : vector<16xf32>
        %parallel_loop3A_455 = arith.index_cast %rem3A_272 : i32 to index
        %parallel_loop3A_456 = arith.index_cast %parallel_loop3A_367 : i32 to index
        %parallel_loop3A_457 = arith.constant 96 : index
        %parallel_loop3A_458 = tpu.vector_load %arg10[%parallel_loop3A_455, %parallel_loop3A_456, %parallel_loop3A_457] {strides = array<i32>} : memref<4x40x128xf32, #tpu.memory_space<vmem>>, vector<16xf32>,
        tpu.vector_store %arg10[%parallel_loop3A_455, %parallel_loop3A_456, %parallel_loop3A_457], %parallel_loop3A_454 {strides = array<i32>} : memref<4x40x128xf32, #tpu.memory_space<vmem>>, vector<16xf32>,
        %parallel_loop3A_459 = arith.index_cast %rem3A_272 : i32 to index
        %parallel_loop3A_460 = arith.index_cast %parallel_loop3A_367 : i32 to index
        %parallel_loop3A_461 = arith.constant 112 : index
        %parallel_loop3A_462 = tpu.vector_load %arg10[%parallel_loop3A_459, %parallel_loop3A_460, %parallel_loop3A_461] {strides = array<i32>} : memref<4x40x128xf32, #tpu.memory_space<vmem>>, vector<16xf32>,
        %parallel_loop3A_463 = arith.index_cast %rem3A_324 : i32 to index
        %parallel_loop3A_464 = arith.index_cast %parallel_loop3A_367 : i32 to index
        %parallel_loop3A_465 = arith.constant 112 : index
        %parallel_loop3A_466 = tpu.vector_load %arg11[%parallel_loop3A_463, %parallel_loop3A_464, %parallel_loop3A_465] {strides = array<i32>} : memref<3x40x128xf32, #tpu.memory_space<vmem>>, vector<16xf32>,
        %parallel_loop3A_467 = arith.mulf %parallel_loop3A_462, %parallel_loop3A_466 : vector<16xf32>
        %parallel_loop3A_468 = arith.index_cast %rem3A_272 : i32 to index
        %parallel_loop3A_469 = arith.index_cast %parallel_loop3A_367 : i32 to index
        %parallel_loop3A_470 = arith.constant 112 : index
        %parallel_loop3A_471 = tpu.vector_load %arg10[%parallel_loop3A_468, %parallel_loop3A_469, %parallel_loop3A_470] {strides = array<i32>} : memref<4x40x128xf32, #tpu.memory_space<vmem>>, vector<16xf32>,
        tpu.vector_store %arg10[%parallel_loop3A_468, %parallel_loop3A_469, %parallel_loop3A_470], %parallel_loop3A_467 {strides = array<i32>} : memref<4x40x128xf32, #tpu.memory_space<vmem>>, vector<16xf32>,
      } {sc.loop_unroll_factor = 4 : i64, sc.parallel_access}
      %get3A = arith.index_cast %rem3A_268 : i32 to index
      %get3A_327 = arith.index_cast %rem3A_270 : i32 to index
      %get3A_328 = arith.constant 0 : index
      %get3A_329 = tpu.vector_load %arg9[%get3A, %get3A_327, %get3A_328] {strides = array<i32>} : memref<2x10x40xi32, #tpu.memory_space<vmem>>, vector<16xi32>,
      %shift_right_logical3A = arith.constant 7 : i32
      %shift_right_logical3A_330 = vector.broadcast %shift_right_logical3A : i32 to vector<16xi32>
      %shift_right_logical3A_331 = arith.shrui %get3A_329, %shift_right_logical3A_330 : vector<16xi32>
      %and3A_332 = arith.constant 127 : i32
      %and3A_333 = vector.broadcast %and3A_332 : i32 to vector<16xi32>
      %and3A_334 = arith.andi %get3A_329, %and3A_333 : vector<16xi32>
      tpu.vector_store_idx %arg12[%shift_right_logical3A_331, %and3A_334], %broadcast_in_dim3A_5 {add = true} : memref<80x128xf32, #tpu.memory_space<vmem>>[vector<16xi32>, vector<16xi32>], vector<16xf32>,
      %get3A_335 = arith.index_cast %rem3A_268 : i32 to index
      %get3A_336 = arith.index_cast %rem3A_270 : i32 to index
      %get3A_337 = arith.constant 16 : index
      %get3A_338 = tpu.vector_load %arg9[%get3A_335, %get3A_336, %get3A_337] {strides = array<i32>} : memref<2x10x40xi32, #tpu.memory_space<vmem>>, vector<16xi32>,
      %shift_right_logical3A_339 = arith.constant 7 : i32
      %shift_right_logical3A_340 = vector.broadcast %shift_right_logical3A_339 : i32 to vector<16xi32>
      %shift_right_logical3A_341 = arith.shrui %get3A_338, %shift_right_logical3A_340 : vector<16xi32>
      %and3A_342 = arith.constant 127 : i32
      %and3A_343 = vector.broadcast %and3A_342 : i32 to vector<16xi32>
      %and3A_344 = arith.andi %get3A_338, %and3A_343 : vector<16xi32>
      tpu.vector_store_idx %arg12[%shift_right_logical3A_341, %and3A_344], %broadcast_in_dim3A_5 {add = true} : memref<80x128xf32, #tpu.memory_space<vmem>>[vector<16xi32>, vector<16xi32>], vector<16xf32>,
      %get3A_345 = arith.index_cast %rem3A_268 : i32 to index
      %get3A_346 = arith.index_cast %rem3A_270 : i32 to index
      %get3A_347 = arith.constant 24 : index
      %get3A_348 = tpu.vector_load %arg9[%get3A_345, %get3A_346, %get3A_347] {strides = array<i32>} : memref<2x10x40xi32, #tpu.memory_space<vmem>>, vector<16xi32>,
      %shift_right_logical3A_349 = arith.constant 7 : i32
      %shift_right_logical3A_350 = vector.broadcast %shift_right_logical3A_349 : i32 to vector<16xi32>
      %shift_right_logical3A_351 = arith.shrui %get3A_348, %shift_right_logical3A_350 : vector<16xi32>
      %and3A_352 = arith.constant 127 : i32
      %and3A_353 = vector.broadcast %and3A_352 : i32 to vector<16xi32>
      %and3A_354 = arith.andi %get3A_348, %and3A_353 : vector<16xi32>
      tpu.vector_store_idx %arg12[%shift_right_logical3A_351, %and3A_354], %broadcast_in_dim3A_5 masked %ge3A_207 {add = true} : memref<80x128xf32, #tpu.memory_space<vmem>>[vector<16xi32>, vector<16xi32>], vector<16xf32>, vector<16xi1>
      %dma_start3A_355 = arith.constant 0 : i32
      %dma_start3A_356 = arith.constant 0 : i32
      %dma_start3A_357 = tpu.memref_slice %arg10[%rem3A_272, %dma_start3A_355, %dma_start3A_356] : memref<4x40x128xf32, #tpu.memory_space<vmem>> -> memref<1x40x128xf32, #tpu.memory_space<vmem>>
      %dma_start3A_358 = tpu.memref_squeeze %dma_start3A_357 : memref<1x40x128xf32, #tpu.memory_space<vmem>> -> memref<40x128xf32, #tpu.memory_space<vmem>>
      %dma_start3A_359 = arith.constant 0 : i32
      %dma_start3A_360 = tpu.memref_slice %arg9[%rem3A_268, %rem3A_270, %dma_start3A_359] : memref<2x10x40xi32, #tpu.memory_space<vmem>> -> memref<1x1x40xi32, #tpu.memory_space<vmem>>
      %dma_start3A_361 = tpu.memref_squeeze %dma_start3A_360 : memref<1x1x40xi32, #tpu.memory_space<vmem>> -> memref<40xi32, #tpu.memory_space<vmem>>
      %dma_start3A_362 = arith.constant 0 : i32
      %dma_start3A_363 = arith.constant 0 : i32
      %dma_start3A_364 = tpu.memref_slice %arg13[%dma_start3A_362, %dma_start3A_363] : memref<10240x128xf32, #tpu.memory_space<vmem_shared>> -> memref<10240x128xf32, #tpu.memory_space<vmem_shared>>
      %dma_start3A_365 = tpu.memref_slice %arg17[%rem3A_272] : memref<4x!tpu.dma_semaphore, #tpu.memory_space<semaphore_mem>> -> memref<1x!tpu.dma_semaphore, #tpu.memory_space<semaphore_mem>>
      %dma_start3A_366 = tpu.memref_squeeze %dma_start3A_365 : memref<1x!tpu.dma_semaphore, #tpu.memory_space<semaphore_mem>> -> memref<!tpu.dma_semaphore, #tpu.memory_space<semaphore_mem>>
      tpu.enqueue_indirect_dma source(%dma_start3A_358 : memref<40x128xf32, #tpu.memory_space<vmem>>) target(%dma_start3A_364 : memref<10240x128xf32, #tpu.memory_space<vmem_shared>>) offsets(%dma_start3A_361 : memref<40xi32, #tpu.memory_space<vmem>>) semaphore(%dma_start3A_366 : memref<!tpu.dma_semaphore, #tpu.memory_space<semaphore_mem>>) {add = true}
    }
    %scan3A_213 = arith.constant 250 : i32
    %div3A = arith.constant 248 : i32
    %div3A_214 = arith.constant 10 : i32
    %div3A_215 = arith.divsi %div3A, %div3A_214 : i32
    %rem3A_216 = arith.constant 2 : i32
    %rem3A_217 = arith.remsi %div3A_215, %rem3A_216 : i32
    %rem3A_218 = arith.constant 248 : i32
    %rem3A_219 = arith.constant 10 : i32
    %rem3A_220 = arith.remsi %rem3A_218, %rem3A_219 : i32
    %rem3A_221 = arith.constant 248 : i32
    %rem3A_222 = arith.constant 4 : i32
    %rem3A_223 = arith.remsi %rem3A_221, %rem3A_222 : i32
    %dma_wait3A_224 = arith.constant 0 : i32
    %dma_wait3A_225 = arith.constant 0 : i32
    %dma_wait3A_226 = tpu.memref_slice %arg10[%rem3A_223, %dma_wait3A_224, %dma_wait3A_225] : memref<4x40x128xf32, #tpu.memory_space<vmem>> -> memref<1x40x128xf32, #tpu.memory_space<vmem>>
    %dma_wait3A_227 = tpu.memref_squeeze %dma_wait3A_226 : memref<1x40x128xf32, #tpu.memory_space<vmem>> -> memref<40x128xf32, #tpu.memory_space<vmem>>
    %dma_wait3A_228 = arith.constant 0 : i32
    %dma_wait3A_229 = tpu.memref_slice %arg9[%rem3A_217, %rem3A_220, %dma_wait3A_228] : memref<2x10x40xi32, #tpu.memory_space<vmem>> -> memref<1x1x40xi32, #tpu.memory_space<vmem>>
    %dma_wait3A_230 = tpu.memref_squeeze %dma_wait3A_229 : memref<1x1x40xi32, #tpu.memory_space<vmem>> -> memref<40xi32, #tpu.memory_space<vmem>>
    %dma_wait3A_231 = arith.constant 0 : i32
    %dma_wait3A_232 = arith.constant 0 : i32
    %dma_wait3A_233 = tpu.memref_slice %arg13[%dma_wait3A_231, %dma_wait3A_232] : memref<10240x128xf32, #tpu.memory_space<vmem_shared>> -> memref<10240x128xf32, #tpu.memory_space<vmem_shared>>
    %dma_wait3A_234 = tpu.memref_slice %arg17[%rem3A_223] : memref<4x!tpu.dma_semaphore, #tpu.memory_space<semaphore_mem>> -> memref<1x!tpu.dma_semaphore, #tpu.memory_space<semaphore_mem>>
    %dma_wait3A_235 = tpu.memref_squeeze %dma_wait3A_234 : memref<1x!tpu.dma_semaphore, #tpu.memory_space<semaphore_mem>> -> memref<!tpu.dma_semaphore, #tpu.memory_space<semaphore_mem>>
    tpu.wait_indirect_dma semaphore(%dma_wait3A_235 : memref<!tpu.dma_semaphore, #tpu.memory_space<semaphore_mem>>) src(%dma_wait3A_227 : memref<40x128xf32, #tpu.memory_space<vmem>>) dst(%dma_wait3A_233 : memref<10240x128xf32, #tpu.memory_space<vmem_shared>>)
    %div3A_236 = arith.constant 249 : i32
    %div3A_237 = arith.constant 10 : i32
    %div3A_238 = arith.divsi %div3A_236, %div3A_237 : i32
    %rem3A_239 = arith.constant 2 : i32
    %rem3A_240 = arith.remsi %div3A_238, %rem3A_239 : i32
    %rem3A_241 = arith.constant 249 : i32
    %rem3A_242 = arith.constant 10 : i32
    %rem3A_243 = arith.remsi %rem3A_241, %rem3A_242 : i32
    %rem3A_244 = arith.constant 249 : i32
    %rem3A_245 = arith.constant 4 : i32
    %rem3A_246 = arith.remsi %rem3A_244, %rem3A_245 : i32
    %dma_wait3A_247 = arith.constant 0 : i32
    %dma_wait3A_248 = arith.constant 0 : i32
    %dma_wait3A_249 = tpu.memref_slice %arg10[%rem3A_246, %dma_wait3A_247, %dma_wait3A_248] : memref<4x40x128xf32, #tpu.memory_space<vmem>> -> memref<1x40x128xf32, #tpu.memory_space<vmem>>
    %dma_wait3A_250 = tpu.memref_squeeze %dma_wait3A_249 : memref<1x40x128xf32, #tpu.memory_space<vmem>> -> memref<40x128xf32, #tpu.memory_space<vmem>>
    %dma_wait3A_251 = arith.constant 0 : i32
    %dma_wait3A_252 = tpu.memref_slice %arg9[%rem3A_240, %rem3A_243, %dma_wait3A_251] : memref<2x10x40xi32, #tpu.memory_space<vmem>> -> memref<1x1x40xi32, #tpu.memory_space<vmem>>
    %dma_wait3A_253 = tpu.memref_squeeze %dma_wait3A_252 : memref<1x1x40xi32, #tpu.memory_space<vmem>> -> memref<40xi32, #tpu.memory_space<vmem>>
    %dma_wait3A_254 = arith.constant 0 : i32
    %dma_wait3A_255 = arith.constant 0 : i32
    %dma_wait3A_256 = tpu.memref_slice %arg13[%dma_wait3A_254, %dma_wait3A_255] : memref<10240x128xf32, #tpu.memory_space<vmem_shared>> -> memref<10240x128xf32, #tpu.memory_space<vmem_shared>>
    %dma_wait3A_257 = tpu.memref_slice %arg17[%rem3A_246] : memref<4x!tpu.dma_semaphore, #tpu.memory_space<semaphore_mem>> -> memref<1x!tpu.dma_semaphore, #tpu.memory_space<semaphore_mem>>
    %dma_wait3A_258 = tpu.memref_squeeze %dma_wait3A_257 : memref<1x!tpu.dma_semaphore, #tpu.memory_space<semaphore_mem>> -> memref<!tpu.dma_semaphore, #tpu.memory_space<semaphore_mem>>
    tpu.wait_indirect_dma semaphore(%dma_wait3A_258 : memref<!tpu.dma_semaphore, #tpu.memory_space<semaphore_mem>>) src(%dma_wait3A_250 : memref<40x128xf32, #tpu.memory_space<vmem>>) dst(%dma_wait3A_256 : memref<10240x128xf32, #tpu.memory_space<vmem_shared>>)
    %barrier3A_259 = arith.constant 0 : index
    tpu.barrier barrier_id(%barrier3A_259)
    %mul3A_260 = arith.constant 640 : i32
    %mul3A_261 = arith.muli %arg1, %mul3A_260 : i32
    %mul3A_262 = arith.constant 640 : i32
    %mul3A_263 = arith.muli %arg1, %mul3A_262 : i32
    "tpu.region"() ({
      %run_scoped3A = tpu.sem_alloc : memref<!tpu.dma_semaphore, #tpu.memory_space<semaphore_mem>>
      %dma_start3A_264 = arith.constant 0 : i32
      %dma_start3A_265 = tpu.memref_slice %arg6[%arg0, %mul3A_263, %dma_start3A_264] : memref<2x10240x128xf32, #tpu.memory_space<hbm>> -> memref<1x640x128xf32, #tpu.memory_space<hbm>>
      %dma_start3A_266 = tpu.memref_squeeze %dma_start3A_265 : memref<1x640x128xf32, #tpu.memory_space<hbm>> -> memref<640x128xf32, #tpu.memory_space<hbm>>
      %dma_start3A_267 = arith.constant 0 : i32
      %dma_start3A_268 = tpu.memref_slice %arg13[%mul3A_261, %dma_start3A_267] : memref<10240x128xf32, #tpu.memory_space<vmem_shared>> -> memref<640x128xf32, #tpu.memory_space<vmem_shared>>
      tpu.enqueue_dma source(%dma_start3A_268 : memref<640x128xf32, #tpu.memory_space<vmem_shared>>) target(%dma_start3A_266 : memref<640x128xf32, #tpu.memory_space<hbm>>) target_semaphore(%run_scoped3A : memref<!tpu.dma_semaphore, #tpu.memory_space<semaphore_mem>>)
      %dma_wait3A_269 = arith.constant 0 : i32
      %dma_wait3A_270 = tpu.memref_slice %arg6[%arg0, %mul3A_263, %dma_wait3A_269] : memref<2x10240x128xf32, #tpu.memory_space<hbm>> -> memref<1x640x128xf32, #tpu.memory_space<hbm>>
      %dma_wait3A_271 = tpu.memref_squeeze %dma_wait3A_270 : memref<1x640x128xf32, #tpu.memory_space<hbm>> -> memref<640x128xf32, #tpu.memory_space<hbm>>
      %dma_wait3A_272 = arith.constant 0 : i32
      %dma_wait3A_273 = tpu.memref_slice %arg13[%mul3A_261, %dma_wait3A_272] : memref<10240x128xf32, #tpu.memory_space<vmem_shared>> -> memref<640x128xf32, #tpu.memory_space<vmem_shared>>
      tpu.wait_dma2 semaphore(%run_scoped3A : memref<!tpu.dma_semaphore, #tpu.memory_space<semaphore_mem>>) src(%dma_wait3A_273 : memref<640x128xf32, #tpu.memory_space<vmem_shared>>) dst(%dma_wait3A_271 : memref<640x128xf32, #tpu.memory_space<hbm>>)
      tpu.yield
    }) : () -> ()
    "tpu.region"() ({
      %run_scoped3A = tpu.sem_alloc : memref<!tpu.dma_semaphore, #tpu.memory_space<semaphore_mem>>
      %dma_start3A_264 = arith.constant 0 : i32
      %dma_start3A_265 = arith.constant 0 : i32
      %dma_start3A_266 = tpu.memref_slice %arg7[%add3A, %dma_start3A_264, %dma_start3A_265] : memref<32x80x128xf32, #tpu.memory_space<hbm>> -> memref<1x80x128xf32, #tpu.memory_space<hbm>>
      %dma_start3A_267 = tpu.memref_squeeze %dma_start3A_266 : memref<1x80x128xf32, #tpu.memory_space<hbm>> -> memref<80x128xf32, #tpu.memory_space<hbm>>
      %dma_start3A_268 = arith.constant 0 : i32
      %dma_start3A_269 = arith.constant 0 : i32
      %dma_start3A_270 = tpu.memref_slice %arg7[%add3A, %dma_start3A_268, %dma_start3A_269] : memref<32x80x128xf32, #tpu.memory_space<hbm>> -> memref<1x80x128xf32, #tpu.memory_space<hbm>>
      %dma_start3A_271 = tpu.memref_squeeze %dma_start3A_270 : memref<1x80x128xf32, #tpu.memory_space<hbm>> -> memref<80x128xf32, #tpu.memory_space<hbm>>
      tpu.enqueue_dma source(%arg12 : memref<80x128xf32, #tpu.memory_space<vmem>>) target(%dma_start3A_271 : memref<80x128xf32, #tpu.memory_space<hbm>>) target_semaphore(%run_scoped3A : memref<!tpu.dma_semaphore, #tpu.memory_space<semaphore_mem>>)
      %dma_wait3A_272 = arith.constant 0 : i32
      %dma_wait3A_273 = arith.constant 0 : i32
      %dma_wait3A_274 = tpu.memref_slice %arg7[%add3A, %dma_wait3A_272, %dma_wait3A_273] : memref<32x80x128xf32, #tpu.memory_space<hbm>> -> memref<1x80x128xf32, #tpu.memory_space<hbm>>
      %dma_wait3A_275 = tpu.memref_squeeze %dma_wait3A_274 : memref<1x80x128xf32, #tpu.memory_space<hbm>> -> memref<80x128xf32, #tpu.memory_space<hbm>>
      %dma_wait3A_276 = arith.constant 0 : i32
      %dma_wait3A_277 = arith.constant 0 : i32
      %dma_wait3A_278 = tpu.memref_slice %arg7[%add3A, %dma_wait3A_276, %dma_wait3A_277] : memref<32x80x128xf32, #tpu.memory_space<hbm>> -> memref<1x80x128xf32, #tpu.memory_space<hbm>>
      %dma_wait3A_279 = tpu.memref_squeeze %dma_wait3A_278 : memref<1x80x128xf32, #tpu.memory_space<hbm>> -> memref<80x128xf32, #tpu.memory_space<hbm>>
      tpu.wait_dma2 semaphore(%run_scoped3A : memref<!tpu.dma_semaphore, #tpu.memory_space<semaphore_mem>>) src(%arg12 : memref<80x128xf32, #tpu.memory_space<vmem>>) dst(%dma_wait3A_279 : memref<80x128xf32, #tpu.memory_space<hbm>>)
      tpu.yield
    }) : () -> ()
    return
  }
}

module attributes {stable_mosaic.version = 14 : i64} {
  func.func @_edge_body(%arg0: i32, %arg1: memref<16x12800xf32, #tpu.memory_space<vmem>>, %arg2: memref<16x128xf32, #tpu.memory_space<vmem>>, %arg3: memref<1x128xf32, #tpu.memory_space<vmem>>, %arg4: memref<12800x128xf32, #tpu.memory_space<vmem>>) attributes {dimension_semantics = [#tpu.dimension_semantics<arbitrary>], iteration_bounds = array<i64: 25>, scalar_prefetch = 0 : i64, scratch_operands = 0 : i64, tpu.core_type = #tpu.core_type<tc>, window_params = [{transform_indices = @transform_0, window_bounds = array<i64: 16, 12800>}, {pipeline_mode = #tpu.pipeline_mode<synchronous>, transform_indices = @transform_1, window_bounds = array<i64: 16, 128>}, {pipeline_mode = #tpu.pipeline_mode<synchronous>, transform_indices = @transform_2, window_bounds = array<i64: 1, 128>}, {transform_indices = @transform_3, window_bounds = array<i64: 12800, 128>}]} {
    %get3A = arith.constant 0 : index
    %get3A_0 = arith.constant 0 : index
    %get3A_1 = vector.load %arg1[%get3A, %get3A_0] : memref<16x12800xf32, #tpu.memory_space<vmem>>, vector<16x12800xf32>
    %get3A_2 = arith.constant 0 : index
    %get3A_3 = arith.constant 0 : index
    %get3A_4 = vector.load %arg2[%get3A_2, %get3A_3] : memref<16x128xf32, #tpu.memory_space<vmem>>, vector<16x128xf32>
    %dot_general3A = arith.constant dense<0.000000e+00> : vector<12800x128xf32>
    %dot_general3A_5 = tpu.matmul %get3A_1, %get3A_4, %dot_general3A {dimension_numbers = #tpu.dot_dimension_numbers<[0], [0], [1], [1], [0, 1, 1, 1], [], []>, transpose_lhs_hint = false} : vector<16x12800xf32>, vector<16x128xf32>, vector<12800x128xf32> -> vector<12800x128xf32>
    %get3A_6 = arith.constant 0 : index
    %get3A_7 = arith.constant 0 : index
    %get3A_8 = vector.load %arg3[%get3A_6, %get3A_7] : memref<1x128xf32, #tpu.memory_space<vmem>>, vector<1x128xf32>
    %add3A = vector.broadcast %get3A_8 : vector<1x128xf32> to vector<12800x128xf32>
    %add3A_9 = arith.addf %dot_general3A_5, %add3A : vector<12800x128xf32>
    %integer_pow3A = arith.mulf %add3A_9, %add3A_9 : vector<12800x128xf32>
    %integer_pow3A_10 = arith.mulf %add3A_9, %integer_pow3A : vector<12800x128xf32>
    %mul3A = arith.constant 4.471500e-02 : f32
    %mul3A_11 = vector.broadcast %mul3A : f32 to vector<12800x128xf32>
    %mul3A_12 = arith.mulf %mul3A_11, %integer_pow3A_10 : vector<12800x128xf32>
    %add3A_13 = arith.addf %add3A_9, %mul3A_12 : vector<12800x128xf32>
    %mul3A_14 = arith.constant 0.797884583 : f32
    %mul3A_15 = vector.broadcast %mul3A_14 : f32 to vector<12800x128xf32>
    %mul3A_16 = arith.mulf %mul3A_15, %add3A_13 : vector<12800x128xf32>
    %tanh3A = math.tanh %mul3A_16 : vector<12800x128xf32>
    %add3A_17 = arith.constant 1.000000e+00 : f32
    %add3A_18 = vector.broadcast %add3A_17 : f32 to vector<12800x128xf32>
    %add3A_19 = arith.addf %add3A_18, %tanh3A : vector<12800x128xf32>
    %mul3A_20 = arith.constant 5.000000e-01 : f32
    %mul3A_21 = vector.broadcast %mul3A_20 : f32 to vector<12800x128xf32>
    %mul3A_22 = arith.mulf %mul3A_21, %add3A_19 : vector<12800x128xf32>
    %mul3A_23 = arith.mulf %add3A_9, %mul3A_22 : vector<12800x128xf32>
    %swap3A = arith.constant 0 : index
    %swap3A_24 = arith.constant 0 : index
    %swap3A_25 = vector.load %arg4[%swap3A, %swap3A_24] : memref<12800x128xf32, #tpu.memory_space<vmem>>, vector<12800x128xf32>
    tpu.vector_store %arg4[%swap3A, %swap3A_24], %mul3A_23 {strides = array<i32>} : memref<12800x128xf32, #tpu.memory_space<vmem>>, vector<12800x128xf32>,
    return
  }
  func.func @transform_0(%arg0: i32) -> (i32, i32) {
    %c0_i32 = arith.constant 0 : i32
    %c0_i32_0 = arith.constant 0 : i32
    return %c0_i32, %arg0 : i32, i32
  }
  func.func @transform_1(%arg0: i32) -> (i32, i32) {
    %c0_i32 = arith.constant 0 : i32
    %c0_i32_0 = arith.constant 0 : i32
    %c0_i32_1 = arith.constant 0 : i32
    return %c0_i32, %c0_i32_0 : i32, i32
  }
  func.func @transform_2(%arg0: i32) -> (i32, i32) {
    %c0_i32 = arith.constant 0 : i32
    %c0_i32_0 = arith.constant 0 : i32
    %c0_i32_1 = arith.constant 0 : i32
    return %c0_i32, %c0_i32_0 : i32, i32
  }
  func.func @transform_3(%arg0: i32) -> (i32, i32) {
    %c0_i32 = arith.constant 0 : i32
    %c0_i32_0 = arith.constant 0 : i32
    return %arg0, %c0_i32 : i32, i32
  }
}

module attributes {stable_mosaic.version = 14 : i64} {
  func.func @_msg_body(%arg0: i32, %arg1: memref<1000x128xf32, #tpu.memory_space<vmem>>, %arg2: memref<1x128xf32, #tpu.memory_space<vmem>>, %arg3: memref<1x128xf32, #tpu.memory_space<vmem>>, %arg4: memref<128x128xf32, #tpu.memory_space<vmem>>, %arg5: memref<1x128xf32, #tpu.memory_space<vmem>>, %arg6: memref<1000x128xf32, #tpu.memory_space<vmem>>) attributes {dimension_semantics = [#tpu.dimension_semantics<arbitrary>], iteration_bounds = array<i64: 10>, scalar_prefetch = 0 : i64, scratch_operands = 0 : i64, tpu.core_type = #tpu.core_type<tc>, window_params = [{transform_indices = @transform_0, window_bounds = array<i64: 1000, 128>}, {pipeline_mode = #tpu.pipeline_mode<synchronous>, transform_indices = @transform_1, window_bounds = array<i64: 1, 128>}, {pipeline_mode = #tpu.pipeline_mode<synchronous>, transform_indices = @transform_2, window_bounds = array<i64: 1, 128>}, {pipeline_mode = #tpu.pipeline_mode<synchronous>, transform_indices = @transform_3, window_bounds = array<i64: 128, 128>}, {pipeline_mode = #tpu.pipeline_mode<synchronous>, transform_indices = @transform_4, window_bounds = array<i64: 1, 128>}, {transform_indices = @transform_5, window_bounds = array<i64: 1000, 128>}]} {
    %get3A = arith.constant 0 : index
    %get3A_0 = arith.constant 0 : index
    %get3A_1 = vector.load %arg1[%get3A, %get3A_0] : memref<1000x128xf32, #tpu.memory_space<vmem>>, vector<1000x128xf32>
    %get3A_2 = arith.constant 0 : index
    %get3A_3 = arith.constant 0 : index
    %get3A_4 = vector.load %arg2[%get3A_2, %get3A_3] : memref<1x128xf32, #tpu.memory_space<vmem>>, vector<1x128xf32>
    %mul3A = vector.broadcast %get3A_4 : vector<1x128xf32> to vector<1000x128xf32>
    %mul3A_5 = arith.mulf %get3A_1, %mul3A : vector<1000x128xf32>
    %get3A_6 = arith.constant 0 : index
    %get3A_7 = arith.constant 0 : index
    %get3A_8 = vector.load %arg3[%get3A_6, %get3A_7] : memref<1x128xf32, #tpu.memory_space<vmem>>, vector<1x128xf32>
    %add3A = vector.broadcast %get3A_8 : vector<1x128xf32> to vector<1000x128xf32>
    %add3A_9 = arith.addf %mul3A_5, %add3A : vector<1000x128xf32>
    %get3A_10 = arith.constant 0 : index
    %get3A_11 = arith.constant 0 : index
    %get3A_12 = vector.load %arg4[%get3A_10, %get3A_11] : memref<128x128xf32, #tpu.memory_space<vmem>>, vector<128x128xf32>
    %dot_general3A = arith.constant dense<0.000000e+00> : vector<1000x128xf32>
    %dot_general3A_13 = tpu.matmul %add3A_9, %get3A_12, %dot_general3A {dimension_numbers = #tpu.dot_dimension_numbers<[1], [0], [0], [1], [0, 0, 1, 1], [], []>, transpose_lhs_hint = false} : vector<1000x128xf32>, vector<128x128xf32>, vector<1000x128xf32> -> vector<1000x128xf32>
    %get3A_14 = arith.constant 0 : index
    %get3A_15 = arith.constant 0 : index
    %get3A_16 = vector.load %arg5[%get3A_14, %get3A_15] : memref<1x128xf32, #tpu.memory_space<vmem>>, vector<1x128xf32>
    %add3A_17 = vector.broadcast %get3A_16 : vector<1x128xf32> to vector<1000x128xf32>
    %add3A_18 = arith.addf %dot_general3A_13, %add3A_17 : vector<1000x128xf32>
    %integer_pow3A = arith.mulf %add3A_18, %add3A_18 : vector<1000x128xf32>
    %integer_pow3A_19 = arith.mulf %add3A_18, %integer_pow3A : vector<1000x128xf32>
    %mul3A_20 = arith.constant 4.471500e-02 : f32
    %mul3A_21 = vector.broadcast %mul3A_20 : f32 to vector<1000x128xf32>
    %mul3A_22 = arith.mulf %mul3A_21, %integer_pow3A_19 : vector<1000x128xf32>
    %add3A_23 = arith.addf %add3A_18, %mul3A_22 : vector<1000x128xf32>
    %mul3A_24 = arith.constant 0.797884583 : f32
    %mul3A_25 = vector.broadcast %mul3A_24 : f32 to vector<1000x128xf32>
    %mul3A_26 = arith.mulf %mul3A_25, %add3A_23 : vector<1000x128xf32>
    %tanh3A = math.tanh %mul3A_26 : vector<1000x128xf32>
    %add3A_27 = arith.constant 1.000000e+00 : f32
    %add3A_28 = vector.broadcast %add3A_27 : f32 to vector<1000x128xf32>
    %add3A_29 = arith.addf %add3A_28, %tanh3A : vector<1000x128xf32>
    %mul3A_30 = arith.constant 5.000000e-01 : f32
    %mul3A_31 = vector.broadcast %mul3A_30 : f32 to vector<1000x128xf32>
    %mul3A_32 = arith.mulf %mul3A_31, %add3A_29 : vector<1000x128xf32>
    %mul3A_33 = arith.mulf %add3A_18, %mul3A_32 : vector<1000x128xf32>
    %swap3A = arith.constant 0 : index
    %swap3A_34 = arith.constant 0 : index
    %swap3A_35 = vector.load %arg6[%swap3A, %swap3A_34] : memref<1000x128xf32, #tpu.memory_space<vmem>>, vector<1000x128xf32>
    tpu.vector_store %arg6[%swap3A, %swap3A_34], %mul3A_33 {strides = array<i32>} : memref<1000x128xf32, #tpu.memory_space<vmem>>, vector<1000x128xf32>,
    return
  }
  func.func @transform_0(%arg0: i32) -> (i32, i32) {
    %c0_i32 = arith.constant 0 : i32
    %c0_i32_0 = arith.constant 0 : i32
    return %arg0, %c0_i32 : i32, i32
  }
  func.func @transform_1(%arg0: i32) -> (i32, i32) {
    %c0_i32 = arith.constant 0 : i32
    %c0_i32_0 = arith.constant 0 : i32
    %c0_i32_1 = arith.constant 0 : i32
    return %c0_i32, %c0_i32_0 : i32, i32
  }
  func.func @transform_2(%arg0: i32) -> (i32, i32) {
    %c0_i32 = arith.constant 0 : i32
    %c0_i32_0 = arith.constant 0 : i32
    %c0_i32_1 = arith.constant 0 : i32
    return %c0_i32, %c0_i32_0 : i32, i32
  }
  func.func @transform_3(%arg0: i32) -> (i32, i32) {
    %c0_i32 = arith.constant 0 : i32
    %c0_i32_0 = arith.constant 0 : i32
    %c0_i32_1 = arith.constant 0 : i32
    return %c0_i32, %c0_i32_0 : i32, i32
  }
  func.func @transform_4(%arg0: i32) -> (i32, i32) {
    %c0_i32 = arith.constant 0 : i32
    %c0_i32_0 = arith.constant 0 : i32
    %c0_i32_1 = arith.constant 0 : i32
    return %c0_i32, %c0_i32_0 : i32, i32
  }
  func.func @transform_5(%arg0: i32) -> (i32, i32) {
    %c0_i32 = arith.constant 0 : i32
    %c0_i32_0 = arith.constant 0 : i32
    return %arg0, %c0_i32 : i32, i32
  }
}

module attributes {stable_mosaic.version = 14 : i64} {
  func.func @_comb_body(%arg0: i32, %arg1: memref<2x1024x128xf32, #tpu.memory_space<vmem>>, %arg2: memref<32x8x128xf32, #tpu.memory_space<vmem>>, %arg3: memref<1024x128xf32, #tpu.memory_space<vmem>>, %arg4: memref<1x128xf32, #tpu.memory_space<vmem>>, %arg5: memref<1x128xf32, #tpu.memory_space<vmem>>, %arg6: memref<1x128xf32, #tpu.memory_space<vmem>>, %arg7: memref<1x128xf32, #tpu.memory_space<vmem>>, %arg8: memref<128x128xf32, #tpu.memory_space<vmem>>, %arg9: memref<128x128xf32, #tpu.memory_space<vmem>>, %arg10: memref<1x128xf32, #tpu.memory_space<vmem>>, %arg11: memref<1024x128xf32, #tpu.memory_space<vmem>>) attributes {dimension_semantics = [#tpu.dimension_semantics<arbitrary>], iteration_bounds = array<i64: 10>, scalar_prefetch = 0 : i64, scratch_operands = 0 : i64, tpu.core_type = #tpu.core_type<tc>, window_params = [{transform_indices = @transform_0, window_bounds = array<i64: 2, 1024, 128>}, {transform_indices = @transform_1, window_bounds = array<i64: 32, 8, 128>}, {transform_indices = @transform_2, window_bounds = array<i64: 1024, 128>}, {pipeline_mode = #tpu.pipeline_mode<synchronous>, transform_indices = @transform_3, window_bounds = array<i64: 1, 128>}, {pipeline_mode = #tpu.pipeline_mode<synchronous>, transform_indices = @transform_4, window_bounds = array<i64: 1, 128>}, {pipeline_mode = #tpu.pipeline_mode<synchronous>, transform_indices = @transform_5, window_bounds = array<i64: 1, 128>}, {pipeline_mode = #tpu.pipeline_mode<synchronous>, transform_indices = @transform_6, window_bounds = array<i64: 1, 128>}, {pipeline_mode = #tpu.pipeline_mode<synchronous>, transform_indices = @transform_7, window_bounds = array<i64: 128, 128>}, {pipeline_mode = #tpu.pipeline_mode<synchronous>, transform_indices = @transform_8, window_bounds = array<i64: 128, 128>}, {pipeline_mode = #tpu.pipeline_mode<synchronous>, transform_indices = @transform_9, window_bounds = array<i64: 1, 128>}, {transform_indices = @transform_10, window_bounds = array<i64: 1024, 128>}]} {
    %get3A = arith.constant 0 : index
    %get3A_0 = arith.constant 0 : index
    %get3A_1 = arith.constant 0 : index
    %get3A_2 = vector.load %arg1[%get3A, %get3A_0, %get3A_1] : memref<2x1024x128xf32, #tpu.memory_space<vmem>>, vector<1x1024x128xf32>
    %get3A_3 = vector.shape_cast %get3A_2 : vector<1x1024x128xf32> to vector<1024x128xf32>
    %get3A_4 = arith.constant 1 : index
    %get3A_5 = arith.constant 0 : index
    %get3A_6 = arith.constant 0 : index
    %get3A_7 = vector.load %arg1[%get3A_4, %get3A_5, %get3A_6] : memref<2x1024x128xf32, #tpu.memory_space<vmem>>, vector<1x1024x128xf32>
    %get3A_8 = vector.shape_cast %get3A_7 : vector<1x1024x128xf32> to vector<1024x128xf32>
    %add3A = arith.addf %get3A_3, %get3A_8 : vector<1024x128xf32>
    %get3A_9 = arith.constant 0 : index
    %get3A_10 = arith.constant 0 : index
    %get3A_11 = arith.constant 0 : index
    %get3A_12 = vector.load %arg2[%get3A_9, %get3A_10, %get3A_11] : memref<32x8x128xf32, #tpu.memory_space<vmem>>, vector<32x8x128xf32>
    %reduce_sum3A = arith.constant dense<0.000000e+00> : vector<8x128xf32>
    %reduce_sum3A_13 = vector.multi_reduction <add>, %get3A_12, %reduce_sum3A [0] : vector<32x8x128xf32> to vector<8x128xf32>
    %max3A = arith.constant 1.000000e+00 : f32
    %max3A_14 = vector.broadcast %max3A : f32 to vector<8x128xf32>
    %max3A_15 = arith.maximumf %reduce_sum3A_13, %max3A_14 : vector<8x128xf32>
    %broadcast_in_dim3A = vector.shape_cast %max3A_15 : vector<8x128xf32> to vector<8x128x1xf32>
    %reshape3A = vector.shape_cast %add3A : vector<1024x128xf32> to vector<8x128x128xf32>
    %div3A = vector.broadcast %broadcast_in_dim3A : vector<8x128x1xf32> to vector<8x128x128xf32>
    %div3A_16 = arith.divf %reshape3A, %div3A : vector<8x128x128xf32>
    %reshape3A_17 = vector.shape_cast %div3A_16 : vector<8x128x128xf32> to vector<1024x128xf32>
    %get3A_18 = arith.constant 0 : index
    %get3A_19 = arith.constant 0 : index
    %get3A_20 = vector.load %arg3[%get3A_18, %get3A_19] : memref<1024x128xf32, #tpu.memory_space<vmem>>, vector<1024x128xf32>
    %get3A_21 = arith.constant 0 : index
    %get3A_22 = arith.constant 0 : index
    %get3A_23 = vector.load %arg4[%get3A_21, %get3A_22] : memref<1x128xf32, #tpu.memory_space<vmem>>, vector<1x128xf32>
    %mul3A = vector.broadcast %get3A_23 : vector<1x128xf32> to vector<1024x128xf32>
    %mul3A_24 = arith.mulf %get3A_20, %mul3A : vector<1024x128xf32>
    %get3A_25 = arith.constant 0 : index
    %get3A_26 = arith.constant 0 : index
    %get3A_27 = vector.load %arg5[%get3A_25, %get3A_26] : memref<1x128xf32, #tpu.memory_space<vmem>>, vector<1x128xf32>
    %add3A_28 = vector.broadcast %get3A_27 : vector<1x128xf32> to vector<1024x128xf32>
    %add3A_29 = arith.addf %mul3A_24, %add3A_28 : vector<1024x128xf32>
    %get3A_30 = arith.constant 0 : index
    %get3A_31 = arith.constant 0 : index
    %get3A_32 = vector.load %arg6[%get3A_30, %get3A_31] : memref<1x128xf32, #tpu.memory_space<vmem>>, vector<1x128xf32>
    %mul3A_33 = vector.broadcast %get3A_32 : vector<1x128xf32> to vector<1024x128xf32>
    %mul3A_34 = arith.mulf %reshape3A_17, %mul3A_33 : vector<1024x128xf32>
    %get3A_35 = arith.constant 0 : index
    %get3A_36 = arith.constant 0 : index
    %get3A_37 = vector.load %arg7[%get3A_35, %get3A_36] : memref<1x128xf32, #tpu.memory_space<vmem>>, vector<1x128xf32>
    %add3A_38 = vector.broadcast %get3A_37 : vector<1x128xf32> to vector<1024x128xf32>
    %add3A_39 = arith.addf %mul3A_34, %add3A_38 : vector<1024x128xf32>
    %get3A_40 = arith.constant 0 : index
    %get3A_41 = arith.constant 0 : index
    %get3A_42 = vector.load %arg8[%get3A_40, %get3A_41] : memref<128x128xf32, #tpu.memory_space<vmem>>, vector<128x128xf32>
    %dot_general3A = arith.constant dense<0.000000e+00> : vector<1024x128xf32>
    %dot_general3A_43 = tpu.matmul %add3A_29, %get3A_42, %dot_general3A {dimension_numbers = #tpu.dot_dimension_numbers<[1], [0], [0], [1], [0, 0, 1, 1], [], []>, transpose_lhs_hint = false} : vector<1024x128xf32>, vector<128x128xf32>, vector<1024x128xf32> -> vector<1024x128xf32>
    %get3A_44 = arith.constant 0 : index
    %get3A_45 = arith.constant 0 : index
    %get3A_46 = vector.load %arg9[%get3A_44, %get3A_45] : memref<128x128xf32, #tpu.memory_space<vmem>>, vector<128x128xf32>
    %dot_general3A_47 = arith.constant dense<0.000000e+00> : vector<1024x128xf32>
    %dot_general3A_48 = tpu.matmul %add3A_39, %get3A_46, %dot_general3A_47 {dimension_numbers = #tpu.dot_dimension_numbers<[1], [0], [0], [1], [0, 0, 1, 1], [], []>, transpose_lhs_hint = false} : vector<1024x128xf32>, vector<128x128xf32>, vector<1024x128xf32> -> vector<1024x128xf32>
    %add3A_49 = arith.addf %dot_general3A_43, %dot_general3A_48 : vector<1024x128xf32>
    %get3A_50 = arith.constant 0 : index
    %get3A_51 = arith.constant 0 : index
    %get3A_52 = vector.load %arg10[%get3A_50, %get3A_51] : memref<1x128xf32, #tpu.memory_space<vmem>>, vector<1x128xf32>
    %add3A_53 = vector.broadcast %get3A_52 : vector<1x128xf32> to vector<1024x128xf32>
    %add3A_54 = arith.addf %add3A_49, %add3A_53 : vector<1024x128xf32>
    %integer_pow3A = arith.mulf %add3A_54, %add3A_54 : vector<1024x128xf32>
    %integer_pow3A_55 = arith.mulf %add3A_54, %integer_pow3A : vector<1024x128xf32>
    %mul3A_56 = arith.constant 4.471500e-02 : f32
    %mul3A_57 = vector.broadcast %mul3A_56 : f32 to vector<1024x128xf32>
    %mul3A_58 = arith.mulf %mul3A_57, %integer_pow3A_55 : vector<1024x128xf32>
    %add3A_59 = arith.addf %add3A_54, %mul3A_58 : vector<1024x128xf32>
    %mul3A_60 = arith.constant 0.797884583 : f32
    %mul3A_61 = vector.broadcast %mul3A_60 : f32 to vector<1024x128xf32>
    %mul3A_62 = arith.mulf %mul3A_61, %add3A_59 : vector<1024x128xf32>
    %tanh3A = math.tanh %mul3A_62 : vector<1024x128xf32>
    %add3A_63 = arith.constant 1.000000e+00 : f32
    %add3A_64 = vector.broadcast %add3A_63 : f32 to vector<1024x128xf32>
    %add3A_65 = arith.addf %add3A_64, %tanh3A : vector<1024x128xf32>
    %mul3A_66 = arith.constant 5.000000e-01 : f32
    %mul3A_67 = vector.broadcast %mul3A_66 : f32 to vector<1024x128xf32>
    %mul3A_68 = arith.mulf %mul3A_67, %add3A_65 : vector<1024x128xf32>
    %mul3A_69 = arith.mulf %add3A_54, %mul3A_68 : vector<1024x128xf32>
    %swap3A = arith.constant 0 : index
    %swap3A_70 = arith.constant 0 : index
    %swap3A_71 = vector.load %arg11[%swap3A, %swap3A_70] : memref<1024x128xf32, #tpu.memory_space<vmem>>, vector<1024x128xf32>
    tpu.vector_store %arg11[%swap3A, %swap3A_70], %mul3A_69 {strides = array<i32>} : memref<1024x128xf32, #tpu.memory_space<vmem>>, vector<1024x128xf32>,
    return
  }
  func.func @transform_0(%arg0: i32) -> (i32, i32, i32) {
    %c0_i32 = arith.constant 0 : i32
    %c0_i32_0 = arith.constant 0 : i32
    %c0_i32_1 = arith.constant 0 : i32
    return %c0_i32, %arg0, %c0_i32_0 : i32, i32, i32
  }
  func.func @transform_1(%arg0: i32) -> (i32, i32, i32) {
    %c0_i32 = arith.constant 0 : i32
    %c0_i32_0 = arith.constant 0 : i32
    %c0_i32_1 = arith.constant 0 : i32
    return %c0_i32, %arg0, %c0_i32_0 : i32, i32, i32
  }
  func.func @transform_2(%arg0: i32) -> (i32, i32) {
    %c0_i32 = arith.constant 0 : i32
    %c0_i32_0 = arith.constant 0 : i32
    return %arg0, %c0_i32 : i32, i32
  }
  func.func @transform_3(%arg0: i32) -> (i32, i32) {
    %c0_i32 = arith.constant 0 : i32
    %c0_i32_0 = arith.constant 0 : i32
    %c0_i32_1 = arith.constant 0 : i32
    return %c0_i32, %c0_i32_0 : i32, i32
  }
  func.func @transform_4(%arg0: i32) -> (i32, i32) {
    %c0_i32 = arith.constant 0 : i32
    %c0_i32_0 = arith.constant 0 : i32
    %c0_i32_1 = arith.constant 0 : i32
    return %c0_i32, %c0_i32_0 : i32, i32
  }
  func.func @transform_5(%arg0: i32) -> (i32, i32) {
    %c0_i32 = arith.constant 0 : i32
    %c0_i32_0 = arith.constant 0 : i32
    %c0_i32_1 = arith.constant 0 : i32
    return %c0_i32, %c0_i32_0 : i32, i32
  }
  func.func @transform_6(%arg0: i32) -> (i32, i32) {
    %c0_i32 = arith.constant 0 : i32
    %c0_i32_0 = arith.constant 0 : i32
    %c0_i32_1 = arith.constant 0 : i32
    return %c0_i32, %c0_i32_0 : i32, i32
  }
  func.func @transform_7(%arg0: i32) -> (i32, i32) {
    %c0_i32 = arith.constant 0 : i32
    %c0_i32_0 = arith.constant 0 : i32
    %c0_i32_1 = arith.constant 0 : i32
    return %c0_i32, %c0_i32_0 : i32, i32
  }
  func.func @transform_8(%arg0: i32) -> (i32, i32) {
    %c0_i32 = arith.constant 0 : i32
    %c0_i32_0 = arith.constant 0 : i32
    %c0_i32_1 = arith.constant 0 : i32
    return %c0_i32, %c0_i32_0 : i32, i32
  }
  func.func @transform_9(%arg0: i32) -> (i32, i32) {
    %c0_i32 = arith.constant 0 : i32
    %c0_i32_0 = arith.constant 0 : i32
    %c0_i32_1 = arith.constant 0 : i32
    return %c0_i32, %c0_i32_0 : i32, i32
  }
  func.func @transform_10(%arg0: i32) -> (i32, i32) {
    %c0_i32 = arith.constant 0 : i32
    %c0_i32_0 = arith.constant 0 : i32
    return %arg0, %c0_i32 : i32, i32
  }
}

</mosaic_0001>

<sc_bundles>
// kernel: kernel.6.cloned.1.call-start
scs
__scs_entry_jumppad:
0x0: {  	(pc) =	sbr.rel $0x88, $3  }
0x1: {  	(tag) =	ssettag $0x0;
	lr =	simm.s32 $0x1  }
0x2: {  	[smem:$0x3F94] =	sst lr;
	_ =	strace $0xD0000000  }
0x3: {  	_ = 	snop  }
0x4: {  	_ = 	snop  }
0x5: {  	_ = 	snop  }
0x6: {  	_ = 	snop  }
0x7: {  	_ = 	snop  }
__scs_overlays_trampoline_lowered:
0x8: {  	[smem:$0x3FA3] =	sst s0  }
0x9: {  	[smem:$0x3FA4] =	sst s1  }
0xa: {  	[smem:$0x3FA5] =	sst s2  }
0xb: {  	[smem:$0x3FA6] =	sst s3  }
0xc: {  	[smem:$0x3FA7] =	sst s4  }
0xd: {  	[smem:$0x3FA8] =	sst s5  }
0xe: {  	[smem:$0x3FA9] =	sst s6  }
0xf: {  	[smem:$0x3FAA] =	sst s7  }
0x10: {  	[smem:$0x3FAB] =	sst s8  }
0x11: {  	[smem:$0x3FAC] =	sst s9;
	s0 =	simm.s32 @!p0 $0x0  }
0x12: {  	s1 =	sld [smem:$0x3F92];
	s0 =	simm.s32 @p0 $0x1  }
0x13: {  	[smem:$0x3FAD] =	sst s0;
	s0 =	simm.s32 @!p1 $0x0  }
0x14: {  	s2 =	sld [smem:$0x3F91];
	s0 =	simm.s32 @p1 $0x1  }
0x15: {  	[smem:$0x3FAE] =	sst s0;
	s0 =	simm.s32 @!p2 $0x0  }
0x16: {  	s3 =	sld [smem:$0x3FDB];
	s0 =	simm.s32 @p2 $0x1  }
0x17: {  	s4 =	simm.s32 $0x1BF5;
	[smem:$0x3FB0] =	sst s0  }
0x18: {  	s0 =	sld [smem:$0x3F93];
	_ =	swait.ge [sflag:s4], $0x0  }
0x19: {  	s7 =	sld [smem:$0x3F94]  }
0x1a: {  	s8 =	sadd.s32 $0xFFFFE003, lr  }
0x1b: {  	s9 =	sadd.s32 $0xFFFFFEF7, lr;
	s5 =	simm.s32 $0xFFFFFFFF;
	p2 =	slt.u32 s8, $0xFFFFF086  }
0x1c: {  	p1 =	slt.u32 s9, $0xF7A;
	s5 =	simm.s32 @!p2 $0x0  }
0x1d: {  	s5 =	simm.s32 @p1 $0x1;
	p0 =	seq.s32 s7, s2  }
0x1e: {  	s7 =	smul.u32 @!p0 $0xF7A, s2;
	p2 =	seq.s32 @!p0 s5, $0x0  }
0x1f: {  	s9 =	smul.u32 $0xF7A, s1;
	s8 =	simm.s32 @!p0 $0x1BF5;
	p2 =	por !p2, p0  }
0x20: {  	[sflag:s8] =	ssyncset.s32 @!p0 $0xFFFFF086;
	s6 =	sadd.s32 @!p0 s3, s7;
	s7 =	simm.s32 @!p0 $0x108  }
0x21: {  	s3 =	sadd.s32 s3, s9;
	s6 =	sadd.s32 @!p0 $0x88, s6;
	s7 =	simm.s32 @p2 $0x1082  }
0x22: {  	[simem:s7], [sflag:s8] =	dma.local @!p0 [hbm:s6], $0xF7A  }
0x23: {  	s9 =	sor.u32 $0xD0000000, s2;
	s6 =	simm.s32 $0x108;
	_ =	swait.ge @!p0 [sflag:s8], $0x0  }
0x24: {  	s3 =	sadd.s32 $0x88, s3;
	s6 =	simm.s32 @!p1 $0x1082;
	[sflag:s4] =	ssyncset.s32 $0xFFFFF086  }
0x25: {  	[simem:s6], [sflag:s4] =	dma.local [hbm:s3], $0xF7A  }
0x26: {  	[smem:$0x3F94] =	sst s1;
	(tag) =	ssettag s2;
	_ =	strace s9  }
0x27: {  	s1 =	sld [smem:$0x3FA4]  }
0x28: {  	s2 =	sld [smem:$0x3FA5]  }
0x29: {  	s4 =	sld [smem:$0x3FA7]  }
0x2a: {  	p0 =	seq.s32 s5, $0x0;
	s5 =	sld [smem:$0x3FA8]  }
0x2b: {  	s6 =	sld [smem:$0x3FA9]  }
0x2c: {  	s7 =	sld [smem:$0x3FAA]  }
0x2d: {  	s3 =	simm.s32 $0x108;
	s8 =	sld [smem:$0x3FAB]  }
0x2e: {  	s3 =	simm.s32 @!p0 $0x1082;
	s9 =	sld [smem:$0x3FAC]  }
0x2f: {  	lr =	sadd.s32 s0, s3;
	s0 =	sld [smem:$0x3FA3]  }
0x30: {  	s3 =	sld [smem:$0x3FA6]  }
0x31: {  	[smem:$0x3FAF] =	sst s10  }
0x32: {  	s10 =	sld [smem:$0x3FAD];
	_ =	sdelay $0x3  }
0x33: {  	p0 =	seq.s32 s10, $0x1;
	s10 =	sld [smem:$0x3FAF];
	_ =	sdelay $0x3  }
0x34: {  	[smem:$0x3FAF] =	sst s10  }
0x35: {  	s10 =	sld [smem:$0x3FAE];
	_ =	sdelay $0x3  }
0x36: {  	p1 =	seq.s32 s10, $0x1;
	s10 =	sld [smem:$0x3FAF];
	_ =	sdelay $0x3  }
0x37: {  	[smem:$0x3FAF] =	sst s10  }
0x38: {  	s10 =	sld [smem:$0x3FB0]  }
0x39: {  	_ = 	snop;
	(pc) =	sbr.ind lr, $3  }
0x3a: {  	_ = 	snop  }
0x3b: {  	_ = 	snop  }
0x3c: {  	p2 =	seq.s32 s10, $0x1;
	s10 =	sld [smem:$0x3FAF]  }
0x3d: {  	_ =	shalt  }
0x3e: {  	_ =	shalt  }
0x3f: {  	_ =	shalt  }
0x40: {  	_ =	shalt  }
0x41: {  	_ =	shalt  }
0x42: {  	_ =	shalt  }
0x43: {  	_ =	shalt  }
0x44: {  	_ =	shalt  }
0x45: {  	_ =	shalt  }
0x46: {  	_ =	shalt  }
0x47: {  	_ =	shalt  }
0x48: {  	_ =	shalt  }
0x49: {  	_ =	shalt  }
0x4a: {  	_ =	shalt  }
0x4b: {  	_ =	shalt  }
0x4c: {  	_ =	shalt  }
0x4d: {  	_ =	shalt  }
0x4e: {  	_ =	shalt  }
0x4f: {  	_ =	shalt  }
0x50: {  	_ =	shalt  }
0x51: {  	_ =	shalt  }
0x52: {  	_ =	shalt  }
0x53: {  	_ =	shalt  }
0x54: {  	_ =	shalt  }
0x55: {  	_ =	shalt  }
0x56: {  	_ =	shalt  }
0x57: {  	_ =	shalt  }
0x58: {  	_ =	shalt  }
0x59: {  	_ =	shalt  }
0x5a: {  	_ =	shalt  }
0x5b: {  	_ =	shalt  }
0x5c: {  	_ =	shalt  }
0x5d: {  	_ =	shalt  }
0x5e: {  	_ =	shalt  }
0x5f: {  	_ =	shalt  }
0x60: {  	_ =	shalt  }
0x61: {  	_ =	shalt  }
0x62: {  	_ =	shalt  }
0x63: {  	_ =	shalt  }
0x64: {  	_ =	shalt  }
0x65: {  	_ =	shalt  }
0x66: {  	_ =	shalt  }
0x67: {  	_ =	shalt  }
0x68: {  	_ =	shalt  }
0x69: {  	_ =	shalt  }
0x6a: {  	_ =	shalt  }
0x6b: {  	_ =	shalt  }
0x6c: {  	_ =	shalt  }
0x6d: {  	_ =	shalt  }
0x6e: {  	_ =	shalt  }
0x6f: {  	_ =	shalt  }
0x70: {  	_ =	shalt  }
0x71: {  	_ =	shalt  }
0x72: {  	_ =	shalt  }
0x73: {  	_ =	shalt  }
0x74: {  	_ =	shalt  }
0x75: {  	_ =	shalt  }
0x76: {  	_ =	shalt  }
0x77: {  	_ =	shalt  }
0x78: {  	_ =	shalt  }
0x79: {  	_ =	shalt  }
0x7a: {  	_ =	shalt  }
0x7b: {  	_ =	shalt  }
0x7c: {  	_ =	shalt  }
0x7d: {  	_ =	shalt  }
0x7e: {  	_ =	shalt  }
0x7f: {  	_ =	shalt  }
0x80: {  	_ =	shalt  }
0x81: {  	_ =	shalt  }
0x82: {  	_ =	shalt  }
0x83: {  	_ =	shalt  }
0x84: {  	_ =	shalt  }
0x85: {  	_ =	shalt  }
0x86: {  	_ =	shalt  }
0x87: {  	_ =	shalt  }
.Lfunc_end0:
.L_simem_size_0:
called_computation_lowered:
.L_overlay_start_0:
0x88: {  	s2 =	sld [smem:$0x3FD9]  }
0x89: {  	s3 =	sld [smem:$0x3FFE];
	_ =	sdelay $0x1  }
0x8a: {  	s1 =	srdreg.scid  }
0x8b: {  	s0 =	sand.u32 $0x1, s1  }
0x8c: {  	s17 =	sshll.u32 s0, $0xA;
	s2 =	sadd.s32 s3, s2  }
0x8d: {  	s2 =	sadd.s32 s2, s17  }
0x8e: {  	[smem:$0x3FBB] =	sst s2  }
0x8f: {  	_ = 	snop  }
0x90: {  	s2 =	sld [smem:$0x3FD0];
	(tm) =	ssettm $0x1  }
0x91: {  	s18 =	sld [smem:$0x3FFB];
	_ =	sdelay $0x3  }
0x92: {  	_ =	strace s18  }
0x93: {  	s3 =	sld [smem:$0x3FFC];
	_ =	sdelay $0x3  }
0x94: {  	_ =	strace s3  }
0x95: {  	s3 =	sld [smem:$0x3FFD];
	_ =	sdelay $0x3  }
0x96: {  	_ =	strace s3  }
0x97: {  	_ =	strace $0x8FFFFFFF  }
0x98: {  	s19 =	sld [smem:$0x3FDB];
	_ =	sdelay $0x1  }
0x99: {  	s4 =	simm.s32 $_scs_section_size  }
0x9a: {  	s5 =	simm.s32 $_size__tile_overlayer_lowered;
	s6 =	simm.s32 $_tile_overlayer_lowered  }
0x9b: {  	s22 =	simm.s32 $0x1BFF;
	s21 =	sshll.u32 s6, $0x1;
	s3 =	sadd.s32 s4, s19  }
0x9c: {  	s7 =	simm.s32 $0x0;
	s20 =	sshll.u32 s5, $0x1;
	s5 =	sadd.s32 s21, s3  }
0x9d: {  	[timem:s7], [sflag:s22] =	dma.local [hbm:s5], s20  }
0x9e: {  	_ =	swait.ge [sflag:s22], s20  }
0x9f: {  	s4 =	ssub.s32 $0x0, s20;
	[sflag:s22] =	ssyncset.done $0x0  }
0xa0: {  	[sflag:s22] =	ssyncadd.s32 s4;
	_ =	sdelay $0x1  }
0xa1: {  	s23 =	simm.s32 $0x1B8B  }
0xa2: {  	_ =	swait.ge [sflag:s23], $0x1  }
0xa3: {  	[sflag:s23] =	ssyncset.done $0x0  }
0xa4: {  	s25 =	simm.s32 $0x1B8E;
	s24 =	sld [smem:$0x3FFE];
	[sflag:s23] =	ssyncadd.s32 $0xFFFFFFFF  }
0xa5: {  	s26 =	simm.s32 $execute0_lowered;
	[smem:$0x3FD2] =	sst s25  }
0xa6: {  	s5 =	sshll.u32 s26, $0x1;
	_ =	strace $0x80000046;
	[dreg:$0x1] =	wrdreg $0xFFFFFFFF  }
0xa7: {  	s28 =	simm.s32 $_size_execute0_lowered;
	s3 =	sadd.s32 s3, s5;
	[dreg:$0x0] =	wrdreg $0x0  }
0xa8: {  	s5 =	sshll.u32 s28, $0x1;
	[dreg:$0x2] =	wrdreg s3  }
0xa9: {  	[dreg:$0x3] =	wrdreg s5  }
0xaa: {  	[dreg:$0x4] =	wrdreg $0xC0  }
0xab: {  	_ =	task [dreg:s7], $0x5FFFF  }
0xac: {  	[dreg:$0x1] =	wrdreg $0xFFFFFFFF  }
0xad: {  	[dreg:$0x0] =	wrdreg $0x60  }
0xae: {  	[dreg:$0x2] =	wrdreg s2  }
0xaf: {  	[dreg:$0x3] =	wrdreg s24  }
0xb0: {  	[dreg:$0x4] =	wrdreg $0xBA400  }
0xb1: {  	[dreg:$0x5] =	wrdreg $0x9  }
0xb2: {  	_ =	task.clear_ibuf [dreg:s7], $0x6FFFF;
	_ =	strace $0x90000046  }
0xb3: {  	s29 =	simm.s32 $0x9;
	_ =	strace $0x80000048  }
0xb4: {  	_ =	swait.ge [sflag:s29], $0x1  }
0xb5: {  	[sflag:s29] =	ssyncadd.s32 $0xFFFFFFFF  }
0xb6: {  	_ =	strace $0x90000048  }
0xb7: {  	_ =	sfence  }
0xb8: {  	s30 =	sld [smem:$0x0];
	_ =	sdelay $0x2  }
0xb9: {  	s31 =	sshll.u32 s1, $0xD;
	s1 =	sshrl.u32 s1, $0x2  }
0xba: {  	s3 =	sand.u32 $0x4000, s31;
	s1 =	sadd.s32 s1, s30  }
0xbb: {  	s0 =	sor.u32 s3, s0;
	s1 =	sshll.u32 s1, $0x11  }
0xbc: {  	s0 =	sor.u32 s1, s0  }
0xbd: {  	s0 =	sadd.s32 $0x8F2B, s0  }
0xbe: {  	[sflag:s0] =	ssyncadd.remote.s32 $0x1  }
0xbf: {  	_ =	sfence.sel $0xFFFF  }
0xc0: {  	[dreg:$0x0] =	wrdreg $0xFFFFFFFF;
	(pc) =	sbr.abs _section_cstart, $3  }
0xc1: {  	[dreg:$0x1] =	wrdreg $0xFFFFFFFF  }
0xc2: {  	_ =	task.clear_ibuf [dreg:s7], $0x2FFFF;
	_ =	strace $0x9FFFFFFF  }
0xc3: {  	(tm) =	ssettm $0x7FFFFFFF  }
tec
execute0_lowered:
.L_overlay_start_1:
0x0: {  	(tag) =	ssettag $0x1  }
0x1: {  	s1 =	rddreg [dreg:$0x0]  }
0x2: {  	s0 =	rddreg [dreg:$0x1]  }
0x3: {  	s2 =	rddreg [dreg:$0x2]  }
0x4: {  	s4 =	simm.s32 $0x0;
	s3 =	srdreg.scid;
	s16 =	stileid.u32  }
0x5: {  	[smem:$0x7FF] =	sst s4;
	s10 =	smul.u32 $0x14000, s16  }
0x6: {  	s3 =	sand.u32 $0x1, s3;
	s5 =	sadd.s32 $0x15E00, s0;
	s31 =	smul.u32 $0x50000, s16  }
0x7: {  	s6 =	sadd.s32 $0xC000, s0;
	s8 =	smul.u32 $0x140000, s3;
	s7 =	sshll.u32 s3, $0x4  }
0x8: {  	_ =	strace $0x80000047;
	s3 =	ssub.s32 $0x2, s3;
	s11 =	sor.u32 s16, s7  }
0x9: {  	s7 =	sadd.s32 $0x2200, s0;
	s13 =	sshrl.u32 s3, $0x1;
	s9 =	smul.u32 $0x500, s11  }
0xa: {  	s8 =	sadd.s32 s10, s8;
	s14 =	smul.u32 $0x4E2, s11;
	s3 =	ssub.s32 s3, s13  }
0xb: {  	s15 =	smul.u32 $0x138800, s11;
	s10 =	sadd.s32 s10, s2;
	s12 =	sshrl.u32 s8, $0x3  }
0xc: {  	s8 =	smul.u32 $0x2710, s11;
	s16 =	smax.u32 s3, $0x1;
	s23 =	sshrl.u32 s10, $0x3  }
0xd: {  	s12 =	sadd.s32 s12, s0;
	s0 =	sadd.s32 s9, s0;
	[dreg:$0xc] =	wrdreg s16  }
0xe: {  	s9 =	smul.u32 $0xFA, s11;
	s26 =	sadd.s32 s6, s14;
	[dreg:$0x12] =	wrdreg s23  }
0xf: {  	s14 =	sadd.s32 s7, s14;
	s11 =	smul.u32 $0x27100, s11;
	[dreg:$0x4] =	wrdreg s26  }
0x10: {  	s30 =	sshrl.u32 s15, $0x3;
	[dreg:$0x5] =	wrdreg s14;
	s14 =	sadd.s32 $0x4F7E00, s12  }
0x11: {  	s15 =	sshrl.u32 s31, $0x2;
	s0 =	sadd.s32 $0x547E00, s0;
	[dreg:$0xa] =	wrdreg s14  }
0x12: {  	s18 =	sadd.s32 s15, s2;
	s11 =	sadd.s32 s5, s11;
	[dreg:$0xb] =	wrdreg s0  }
0x13: {  	s17 =	sadd.s32 $0x1400, s18;
	[dreg:$0x8] =	wrdreg s11  }
0x14: {  	s19 =	sadd.s32 $0x2800, s18;
	[dreg:$0xd] =	wrdreg s17  }
0x15: {  	s20 =	sadd.s32 $0x3C00, s18;
	[dreg:$0xe] =	wrdreg s19  }
0x16: {  	s21 =	sadd.s32 $0x5000, s18;
	[dreg:$0xf] =	wrdreg s20  }
0x17: {  	s16 =	simm.s32 $0x9240;
	s22 =	sadd.s32 $0x6400, s18;
	[dreg:$0x10] =	wrdreg s21  }
0x18: {  	s28 =	sshrl.u32 s8, $0x3;
	s24 =	sadd.s32 $0x7800, s18;
	[dreg:$0x11] =	wrdreg s22  }
0x19: {  	s15 =	simm.s32 $0x28;
	s25 =	sadd.s32 $0x8C00, s18;
	[dreg:$0x13] =	wrdreg s24  }
0x1a: {  	s13 =	sadd.s32 $0x32, s28;
	s26 =	sadd.s32 $0xA000, s18;
	[dreg:$0x14] =	wrdreg s25  }
0x1b: {  	s28 =	sadd.s32 $0xB400, s18;
	s31 =	sadd.s32 $0xF000, s18;
	[dreg:$0x15] =	wrdreg s26  }
0x1c: {  	s10 =	sadd.s32 $0x10400, s18;
	s12 =	sadd.s32 $0x12C00, s18;
	[dreg:$0x16] =	wrdreg s28  }
0x1d: {  	s14 =	simm.s32 $0x1;
	s29 =	sadd.s32 s6, s13;
	[dreg:$0x19] =	wrdreg s31  }
0x1e: {  	s13 =	sadd.s32 s7, s13;
	s17 =	simm.s32 $0xA;
	[dreg:$0x6] =	wrdreg s29  }
0x1f: {  	s19 =	simm.s32 $0xB;
	[dreg:$0x7] =	wrdreg s13;
	s29 =	sadd.s32 $0xC800, s18  }
0x20: {  	s13 =	sadd.s32 s5, s30;
	s30 =	sadd.s32 $0xDC00, s18;
	[dreg:$0x17] =	wrdreg s29  }
0x21: {  	s20 =	simm.s32 $0x0;
	s11 =	sadd.s32 $0x280, s13;
	[dreg:$0x18] =	wrdreg s30  }
0x22: {  	v0 =	vimm.f32 $0.0e+00;
	v1 =	vimm.f32 $1.000000000e+00;
	vm0 =	vcmask $0x3F20;
	s13 =	simm.s32 $0xE;
	[dreg:$0x9] =	wrdreg s11;
	s11 =	sadd.s32 $0x11800, s18  }
.LBB2_1:
0x23: {  	s0 =	simm.s32 $0x0;
	s21 =	simm.s32 $0x200  }
.LBB2_2:
0x24: {  	p0 =	sne.s32 s21, $0x9E00;
	[tilespmem:s0+$0x92B0] =	vst v0  }
0x25: {  	[tilespmem:s0+$0x9240] =	vst v0  }
0x26: {  	[tilespmem:s0+$0x9250] =	vst v0  }
.Ltmp0:
0x27: {  	[tilespmem:s0+$0x9260] =	vst v0;
	(pc) =	sbr.rel @p0 .LBB2_2-.Ltmp0, $4  }
0x28: {  	[tilespmem:s0+$0x9270] =	vst v0  }
0x29: {  	[tilespmem:s0+$0x9280] =	vst v0  }
0x2a: {  	[tilespmem:s0+$0x9290] =	vst v0  }
0x2b: {  	[tilespmem:s0+$0x92A0] =	vst v0;
	s0 =	sshra.s32 s21, $0x2;
	s21 =	sadd.s32 $0x200, s21  }
0x2c: {  	[tilespmem:s0+$0x92B0] =	vst v0  }
0x2d: {  	[tilespmem:s0+$0x9240] =	vst v0  }
0x2e: {  	[tilespmem:s0+$0x9250] =	vst v0  }
0x2f: {  	[tilespmem:s0+$0x9260] =	vst v0  }
0x30: {  	[tilespmem:s0+$0x9270] =	vst v0  }
0x31: {  	[tilespmem:s0+$0x9280] =	vst v0  }
0x32: {  	[tilespmem:s0+$0x9290] =	vst v0  }
0x33: {  	[tilespmem:s0+$0x92A0] =	vst v0;
	s0 =	simm.s32 $0x0;
	s21 =	simm.s32 $0x200  }
.LBB2_4:
0x34: {  	p0 =	sne.s32 s21, $0x4E00;
	[tilespmem:s0+$0x56B0] =	vst v0  }
0x35: {  	[tilespmem:s0+$0x5640] =	vst v0  }
0x36: {  	[tilespmem:s0+$0x5650] =	vst v0  }
.Ltmp1:
0x37: {  	[tilespmem:s0+$0x5660] =	vst v0;
	(pc) =	sbr.rel @p0 .LBB2_4-.Ltmp1, $4  }
0x38: {  	[tilespmem:s0+$0x5670] =	vst v0  }
0x39: {  	[tilespmem:s0+$0x5680] =	vst v0  }
0x3a: {  	[tilespmem:s0+$0x5690] =	vst v0  }
0x3b: {  	[tilespmem:s0+$0x56A0] =	vst v0;
	s0 =	sshra.s32 s21, $0x2;
	s21 =	sadd.s32 $0x200, s21  }
0x3c: {  	[tilespmem:s0+$0x56B0] =	vst v0  }
0x3d: {  	[tilespmem:s0+$0x5640] =	vst v0  }
0x3e: {  	[tilespmem:s0+$0x5650] =	vst v0  }
0x3f: {  	[tilespmem:s0+$0x5660] =	vst v0  }
0x40: {  	[tilespmem:s0+$0x5670] =	vst v0  }
0x41: {  	[tilespmem:s0+$0x5680] =	vst v0  }
0x42: {  	[tilespmem:s0+$0x5690] =	vst v0  }
0x43: {  	[tilespmem:s0+$0x56A0] =	vst v0;
	s21 =	simm.s32 $0x5640  }
0x44: {  	[spmem:s18] =	stream.linear.scatter [tilespmem:s21], [sflag:$0xE], $0x1400, $0x38;
	[tilespmem:$0x1FA40] =	vst v63  }
0x45: {  	_ =	swait.ge [sflag:s13], $0x1400  }
0x46: {  	[sflag:s13] =	ssyncset.done $0x0  }
0x47: {  	s28 =	rddreg [dreg:$0xd];
	[sflag:s13] =	ssyncadd.s32 $0xFFFFEC00  }
0x48: {  	[spmem:s28] =	stream.linear.scatter [tilespmem:s21], [sflag:$0xE], $0x1400, $0x38;
	[tilespmem:$0x1FA40] =	vst v63  }
0x49: {  	_ =	swait.ge [sflag:s13], $0x1400  }
0x4a: {  	[sflag:s13] =	ssyncset.done $0x0  }
0x4b: {  	s29 =	rddreg [dreg:$0xe];
	[sflag:s13] =	ssyncadd.s32 $0xFFFFEC00  }
0x4c: {  	[spmem:s29] =	stream.linear.scatter [tilespmem:s21], [sflag:$0xE], $0x1400, $0x38;
	[tilespmem:$0x1FA40] =	vst v63  }
0x4d: {  	_ =	swait.ge [sflag:s13], $0x1400  }
0x4e: {  	[sflag:s13] =	ssyncset.done $0x0  }
0x4f: {  	s30 =	rddreg [dreg:$0xf];
	[sflag:s13] =	ssyncadd.s32 $0xFFFFEC00  }
0x50: {  	[spmem:s30] =	stream.linear.scatter [tilespmem:s21], [sflag:$0xE], $0x1400, $0x38;
	[tilespmem:$0x1FA40] =	vst v63  }
0x51: {  	_ =	swait.ge [sflag:s13], $0x1400  }
0x52: {  	[sflag:s13] =	ssyncset.done $0x0  }
0x53: {  	s31 =	rddreg [dreg:$0x10];
	[sflag:s13] =	ssyncadd.s32 $0xFFFFEC00  }
0x54: {  	[spmem:s31] =	stream.linear.scatter [tilespmem:s21], [sflag:$0xE], $0x1400, $0x38;
	[tilespmem:$0x1FA40] =	vst v63  }
0x55: {  	_ =	swait.ge [sflag:s13], $0x1400  }
0x56: {  	[sflag:s13] =	ssyncset.done $0x0  }
0x57: {  	s3 =	rddreg [dreg:$0x11];
	[sflag:s13] =	ssyncadd.s32 $0xFFFFEC00  }
0x58: {  	[spmem:s3] =	stream.linear.scatter [tilespmem:s21], [sflag:$0xE], $0x1400, $0x38;
	[tilespmem:$0x1FA40] =	vst v63  }
0x59: {  	_ =	swait.ge [sflag:s13], $0x1400  }
0x5a: {  	[sflag:s13] =	ssyncset.done $0x0  }
0x5b: {  	s22 =	rddreg [dreg:$0x13];
	[sflag:s13] =	ssyncadd.s32 $0xFFFFEC00  }
0x5c: {  	[spmem:s22] =	stream.linear.scatter [tilespmem:s21], [sflag:$0xE], $0x1400, $0x38;
	[tilespmem:$0x1FA40] =	vst v63  }
0x5d: {  	_ =	swait.ge [sflag:s13], $0x1400  }
0x5e: {  	[sflag:s13] =	ssyncset.done $0x0  }
0x5f: {  	s23 =	rddreg [dreg:$0x14];
	[sflag:s13] =	ssyncadd.s32 $0xFFFFEC00  }
0x60: {  	[spmem:s23] =	stream.linear.scatter [tilespmem:s21], [sflag:$0xE], $0x1400, $0x38;
	[tilespmem:$0x1FA40] =	vst v63  }
0x61: {  	_ =	swait.ge [sflag:s13], $0x1400  }
0x62: {  	[sflag:s13] =	ssyncset.done $0x0  }
0x63: {  	s24 =	rddreg [dreg:$0x15];
	[sflag:s13] =	ssyncadd.s32 $0xFFFFEC00  }
0x64: {  	[spmem:s24] =	stream.linear.scatter [tilespmem:s21], [sflag:$0xE], $0x1400, $0x38;
	[tilespmem:$0x1FA40] =	vst v63  }
0x65: {  	_ =	swait.ge [sflag:s13], $0x1400  }
0x66: {  	[sflag:s13] =	ssyncset.done $0x0  }
0x67: {  	s25 =	rddreg [dreg:$0x16];
	[sflag:s13] =	ssyncadd.s32 $0xFFFFEC00  }
0x68: {  	[spmem:s25] =	stream.linear.scatter [tilespmem:s21], [sflag:$0xE], $0x1400, $0x38;
	[tilespmem:$0x1FA40] =	vst v63  }
0x69: {  	_ =	swait.ge [sflag:s13], $0x1400  }
0x6a: {  	[sflag:s13] =	ssyncset.done $0x0  }
0x6b: {  	s26 =	rddreg [dreg:$0x17];
	[sflag:s13] =	ssyncadd.s32 $0xFFFFEC00  }
0x6c: {  	[spmem:s26] =	stream.linear.scatter [tilespmem:s21], [sflag:$0xE], $0x1400, $0x38;
	[tilespmem:$0x1FA40] =	vst v63  }
0x6d: {  	_ =	swait.ge [sflag:s13], $0x1400  }
0x6e: {  	[sflag:s13] =	ssyncset.done $0x0  }
0x6f: {  	s28 =	rddreg [dreg:$0x18];
	[sflag:s13] =	ssyncadd.s32 $0xFFFFEC00  }
0x70: {  	[spmem:s28] =	stream.linear.scatter [tilespmem:s21], [sflag:$0xE], $0x1400, $0x38;
	[tilespmem:$0x1FA40] =	vst v63  }
0x71: {  	_ =	swait.ge [sflag:s13], $0x1400  }
0x72: {  	[sflag:s13] =	ssyncset.done $0x0  }
0x73: {  	s29 =	rddreg [dreg:$0x19];
	[sflag:s13] =	ssyncadd.s32 $0xFFFFEC00  }
0x74: {  	[spmem:s29] =	stream.linear.scatter [tilespmem:s21], [sflag:$0xE], $0x1400, $0x38;
	[tilespmem:$0x1FA40] =	vst v63  }
0x75: {  	_ =	swait.ge [sflag:s13], $0x1400  }
0x76: {  	[sflag:s13] =	ssyncset.done $0x0  }
0x77: {  	[sflag:s13] =	ssyncadd.s32 $0xFFFFEC00  }
0x78: {  	[spmem:s10] =	stream.linear.scatter [tilespmem:s21], [sflag:$0xE], $0x1400, $0x38;
	[tilespmem:$0x1FA40] =	vst v63  }
0x79: {  	_ =	swait.ge [sflag:s13], $0x1400  }
0x7a: {  	[sflag:s13] =	ssyncset.done $0x0  }
0x7b: {  	[sflag:s13] =	ssyncadd.s32 $0xFFFFEC00  }
0x7c: {  	[spmem:s11] =	stream.linear.scatter [tilespmem:s21], [sflag:$0xE], $0x1400, $0x38;
	[tilespmem:$0x1FA40] =	vst v63  }
0x7d: {  	_ =	swait.ge [sflag:s13], $0x1400  }
0x7e: {  	[sflag:s13] =	ssyncset.done $0x0  }
0x7f: {  	[sflag:s13] =	ssyncadd.s32 $0xFFFFEC00  }
0x80: {  	[spmem:s12] =	stream.linear.scatter [tilespmem:s21], [sflag:$0xE], $0x1400, $0x38;
	[tilespmem:$0x1FA40] =	vst v63  }
0x81: {  	_ =	swait.ge [sflag:s13], $0x1400  }
0x82: {  	[sflag:s13] =	ssyncset.done $0x0  }
0x83: {  	[sflag:s13] =	ssyncadd.s32 $0xFFFFEC00  }
0x84: {  	[bflag:$0x0] =	sbarrier.arrive $0xFFFF  }
0x85: {  	s22 =	simm.s32 $0x0;
	s30 =	rddreg [dreg:$0x4]  }
0x86: {  	[tilespmem:s22], [sflag:$0x1] =	stream.linear.gather [hbm4b:s30+s22], $0x190, $0x38;
	[tilespmem:$0x1FA40] =	vst v63  }
0x87: {  	s3 =	simm.s32 $0x320;
	s31 =	rddreg [dreg:$0x5]  }
0x88: {  	[tilespmem:s3], [sflag:$0x1] =	stream.linear.gather [hbm4b:s31+s22], $0x190, $0x38;
	[tilespmem:$0x1FA40] =	vst v63  }
0x89: {  	_ =	swait.ge [sflag:s14], $0x190  }
0x8a: {  	[sflag:s14] =	ssyncset.done $0x0  }
0x8b: {  	[sflag:s14] =	ssyncadd.s32 $0xFFFFFE70  }
0x8c: {  	_ =	swait.ge [sflag:s14], $0x190  }
0x8d: {  	[sflag:s14] =	ssyncset.done $0x0  }
0x8e: {  	s23 =	simm.s32 $0x190;
	s3 =	rddreg [dreg:$0x6];
	[sflag:s14] =	ssyncadd.s32 $0xFFFFFE70  }
0x8f: {  	[tilespmem:s23], [sflag:$0x2] =	stream.linear.gather [hbm4b:s3+s22], $0x190, $0x38;
	[tilespmem:$0x1FA40] =	vst v63  }
0x90: {  	s25 =	simm.s32 $0x4B0;
	s24 =	rddreg [dreg:$0x7]  }
0x91: {  	[tilespmem:s25], [sflag:$0x2] =	stream.linear.gather [hbm4b:s24+s22], $0x190, $0x38;
	[tilespmem:$0x1FA40] =	vst v63  }
0x92: {  	s26 =	simm.s32 $0x640  }
0x93: {  	[tilespmem:s26], [sflag:$0x3] =	stream.indirect.gather [hbm4b:s1+s15], $0x80, s22, s15, $0xb8;
	[tilespmem:$0x1FA40] =	vst v63  }
0x94: {  	s28 =	rddreg [dreg:$0x8]  }
0x95: {  	[tilespmem:s21], [sflag:$0x7] =	stream.linear.gather [hbm4b:s28+s22], $0x1400, $0x38;
	[tilespmem:$0x1FA40] =	vst v63  }
0x96: {  	s29 =	simm.s32 $0x1A40  }
0x97: {  	[tilespmem:s29], [sflag:$0x4] =	stream.indirect.gather [hbm4b:s1+s15], $0x80, s15, s15, $0xb8;
	[tilespmem:$0x1FA40] =	vst v63  }
0x98: {  	s31 =	simm.s32 $0x6A40;
	s30 =	rddreg [dreg:$0x9];
	s23 =	simm.s32 $0x0  }
0x99: {  	[tilespmem:s31], [sflag:$0x8] =	stream.linear.gather [hbm4b:s30+s22], $0x1400, $0x38;
	[tilespmem:$0x1FA40] =	vst v63  }
.LBB2_6:
0x9a: {  	s0 =	smul.u32 $0xAB, s23;
	_ =	sdelay $0x1  }
0x9b: {  	s0 =	sshrl.u32 s0, $0x9  }
0x9c: {  	s0 =	sand.u32 $0x7F, s0  }
0x9d: {  	s24 =	sand.u32 $0x3, s23;
	s0 =	smul.u32 $0x3, s0  }
0x9e: {  	s25 =	sadd.s32 $0x3, s24  }
0x9f: {  	s26 =	smul.u32 $0xCD, s23;
	_ =	swait.ge [sflag:s25], $0x1400;
	s0 =	ssub.s32 s23, s0  }
0xa0: {  	p0 =	slt.u32 s23, $0x2;
	[sflag:s25] =	ssyncset.done $0x0;
	s0 =	sand.u32 $0xFF, s0  }
0xa1: {  	p1 =	sgt.u32 @!p0 s23, $0xF7;
	[sflag:s25] =	ssyncadd.s32 $0xFFFFEC00;
	s0 =	sadd.s32 $0x7, s0  }
0xa2: {  	s30 =	sshrl.u32 s26, $0xB;
	p1 =	por p0, !p1;
	_ =	swait.ge [sflag:s0], $0x1400  }
.Ltmp2:
0xa3: {  	s26 =	sxor.u32 @!p0 $0x2, s24;
	[sflag:s0] =	ssyncset.done $0x0;
	(pc) =	sbr.rel @!p1 .LBB2_8-.Ltmp2, $4  }
0xa4: {  	s25 =	sand.u32 $0x1F, s30;
	[sflag:s0] =	ssyncadd.s32 $0xFFFFEC00;
	s0 =	sadd.s32 @!p0 $0xA, s26  }
0xa5: {  	s31 =	smul.u32 $0xA, s25;
	_ =	swait.ge @!p0 [sflag:s0], $0x1400  }
0xa6: {  	[sflag:s0] =	ssyncset.done @!p0 $0x0  }
0xa7: {  	s29 =	ssub.s32 s23, s31;
	[sflag:s0] =	ssyncadd.s32 @!p0 $0xFFFFEC00  }
0xa8: {  	s0 =	sadd.s32 $0x2, s23  }
0xa9: {  	s26 =	smul.u32 $0xCD, s0;
	_ =	sdelay $0x1  }
0xaa: {  	s26 =	sshrl.u32 s26, $0xB  }
0xab: {  	s28 =	sand.u32 $0x1F, s26  }
0xac: {  	s28 =	smul.u32 $0xA, s28;
	_ =	sdelay $0x1  }
0xad: {  	s28 =	ssub.s32 s0, s28  }
0xae: {  	s28 =	sand.u32 $0xFF, s28  }
0xaf: {  	s3 =	smul.u32 $0xAB, s0;
	s26 =	sand.u32 $0x1, s26;
	p0 =	sne.s32 s28, $0x0  }
0xb0: {  	s30 =	sadd.s32 @!p0 $0x1, s26  }
0xb1: {  	s3 =	sshrl.u32 s3, $0x9;
	_ =	swait.ge @!p0 [sflag:s30], $0x190  }
0xb2: {  	s3 =	sand.u32 $0x7F, s3;
	[sflag:s30] =	ssyncset.done @!p0 $0x0  }
0xb3: {  	s3 =	smul.u32 $0x3, s3;
	[sflag:s30] =	ssyncadd.s32 @!p0 $0xFFFFFE70  }
0xb4: {  	s28 =	smul.u32 $0xA0, s28;
	_ =	swait.ge @!p0 [sflag:s30], $0x190  }
0xb5: {  	s31 =	sand.u32 $0x3, s0;
	s26 =	smul.u32 $0x640, s26;
	[sflag:s30] =	ssyncset.done @!p0 $0x0  }
0xb6: {  	[sflag:s30] =	ssyncadd.s32 @!p0 $0xFFFFFE70;
	s30 =	smul.u32 $0x5000, s31  }
0xb7: {  	s3 =	ssub.s32 s0, s3;
	s28 =	sshrl.u32 s28, $0x2;
	s26 =	sshrl.u32 s26, $0x2  }
0xb8: {  	s0 =	smul.u32 $0x28, s0;
	s26 =	sadd.s32 s28, s26;
	s30 =	sshrl.u32 s30, $0x2  }
0xb9: {  	s31 =	sadd.s32 $0x3, s31;
	s28 =	sadd.s32 $0x640, s30;
	s30 =	sadd.s32 $0xFFFFFFF6, s23  }
0xba: {  	[tilespmem:s28], [sflag:s31] =	stream.indirect.gather [hbm4b:s1+s15], $0x80, s26, s15, $0xb8;
	[tilespmem:$0x1FA40] =	vst v63  }
0xbb: {  	p0 =	sgt.u32 s30, $0xE5  }
0xbc: {  	s3 =	sand.u32 $0xFF, s3;
	s0 =	sadd.s32 s8, s0;
	s28 =	sand.u32 @!p0 $0xFF, s29  }
0xbd: {  	s0 =	sshll.u32 s0, $0x4;
	s31 =	smul.u32 $0x5000, s3;
	p1 =	sne.s32 @!p0 s28, $0x2  }
0xbe: {  	s0 =	sand.u32 $0x1FFFFF80, s0;
	p0 =	por p1, p0  }
0xbf: {  	s0 =	sadd.s32 s5, s0;
	s26 =	sshrl.u32 s31, $0x2;
	s28 =	sadd.s32 @!p0 $0x1, s25  }
0xc0: {  	s3 =	sadd.s32 $0x7, s3;
	s26 =	sadd.s32 $0x5640, s26;
	s30 =	smul.u32 @!p0 $0xA, s28  }
0xc1: {  	[tilespmem:s26], [sflag:s3] =	stream.linear.gather [hbm4b:s0+s4], $0x1400, $0x38;
	[tilespmem:$0x1FA40] =	vst v63  }
0xc2: {  	s0 =	sadd.s32 @!p0 s9, s30  }
0xc3: {  	s3 =	sand.u32 @!p0 $0x1, s28;
	s0 =	smul.u32 @!p0 $0x5, s0  }
0xc4: {  	s26 =	smul.u32 @!p0 $0x190, s3  }
0xc5: {  	s3 =	sadd.s32 @!p0 $0x1, s3;
	s30 =	simm.s32 @!p0 $0x0;
	s28 =	sadd.s32 @!p0 s6, s0  }
0xc6: {  	[tilespmem:s26], [sflag:s3] =	stream.linear.gather @!p0 [hbm4b:s28+s30], $0x190, $0x38;
	[tilespmem:$0x1FA40] =	vst v63  }
0xc7: {  	s0 =	sadd.s32 @!p0 s7, s0;
	s26 =	sadd.s32 @!p0 $0x320, s26  }
0xc8: {  	[tilespmem:s26], [sflag:s3] =	stream.linear.gather @!p0 [hbm4b:s0+s30], $0x190, $0x38;
	[tilespmem:$0x1FA40] =	vst v63  }
.LBB2_8:
0xc9: {  	s0 =	smulhi.u32 $0xAAAAAAAB, s23;
	s3 =	sand.u32 $0x3, s22  }
0xca: {  	s3 =	smul.u32 $0x5000, s3;
	_ =	sdelay $0x1  }
0xcb: {  	s0 =	sshrl.u32 s0, $0x1;
	s3 =	sshrl.u32 s3, $0x2  }
0xcc: {  	s0 =	smul.u32 $0xFFFF1000, s0;
	s3 =	sadd.s32 $0x830, s3  }
0xcd: {  	v2 =	vmov s3  }
0xce: {  	s0 =	sshra.s32 s0, $0x2  }
0xcf: {  	s0 =	sadd.s32 s0, s21  }
0xd0: {  	v3 =	vmov s0  }
0xd1: {  	s26 =	simm.s32 $0x0  }
0xd2: {  	v4 =	vld.idx.msk [tilespmem:v2+s26+$0xFFFFFF90 ss:$0x1], $0xffff  }
0xd3: {  	v6 =	vld.idx.msk [tilespmem:v2+s26+$0xFFFFFE10 ss:$0x1], $0xffff  }
0xd4: {  	v8 =	vld.idx.msk [tilespmem:v2+s26+$0xFFFFFE90 ss:$0x1], $0xffff  }
0xd5: {  	s28 =	simm.s32 $0x200;
	v5 =	vld.idx.msk [tilespmem:v3+s26+$0x180 ss:$0x1], $0xffff  }
0xd6: {  	v12 =	vld.idx.msk [tilespmem:v2+s28+$0xFFFFFF90 ss:$0x1], $0xffff  }
0xd7: {  	v7 =	vld.idx.msk [tilespmem:v3+s26+$0x0 ss:$0x1], $0xffff  }
0xd8: {  	v14 =	vld.idx.msk [tilespmem:v2+s28+$0xFFFFFE10 ss:$0x1], $0xffff  }
0xd9: {  	v17 =	vld.idx.msk [tilespmem:v2+s28+$0xFFFFFF10 ss:$0x1], $0xffff  }
0xda: {  	v9 =	vld.idx.msk [tilespmem:v3+s26+$0x80 ss:$0x1], $0xffff;
	v4 =	vmul.f32 v5, v4  }
0xdb: {  	v5 =	vld.idx.msk [tilespmem:v2+s26+$0xFFFFFF10 ss:$0x1], $0xffff  }
0xdc: {  	v6 =	vmul.f32 v7, v6;
	v7 =	vld.idx.msk [tilespmem:v3+s26+$0x100 ss:$0x1], $0xffff;
	[tilespmem:v2+s26+$0xFFFFFF90 ss:$0x1] =	vst.idx.msk $0xffff, v4  }
0xdd: {  	v4 =	vld.idx.msk [tilespmem:v2+s26+$0xFFFFFFA0 ss:$0x1], $0xffff  }
0xde: {  	[tilespmem:v2+s26+$0xFFFFFE10 ss:$0x1] =	vst.idx.msk $0xffff, v6;
	v6 =	vld.idx.msk [tilespmem:v3+s26+$0x190 ss:$0x1], $0xffff  }
0xdf: {  	v8 =	vmul.f32 v9, v8;
	v9 =	vld.idx.msk [tilespmem:v2+s26+$0xFFFFFE20 ss:$0x1], $0xffff  }
0xe0: {  	v10 =	vld.idx.msk [tilespmem:v3+s26+$0x10 ss:$0x1], $0xffff  }
0xe1: {  	v13 =	vld.idx.msk [tilespmem:v3+s28+$0x180 ss:$0x1], $0xffff;
	[tilespmem:v2+s26+$0xFFFFFE90 ss:$0x1] =	vst.idx.msk $0xffff, v8;
	v5 =	vmul.f32 v7, v5  }
0xe2: {  	v8 =	vld.idx.msk [tilespmem:v3+s26+$0x90 ss:$0x1], $0xffff  }
0xe3: {  	v7 =	vld.idx.msk [tilespmem:v2+s26+$0xFFFFFEA0 ss:$0x1], $0xffff;
	[tilespmem:v2+s26+$0xFFFFFF10 ss:$0x1] =	vst.idx.msk $0xffff, v5;
	v4 =	vmul.f32 v6, v4  }
0xe4: {  	v5 =	vld.idx.msk [tilespmem:v2+s26+$0xFFFFFF20 ss:$0x1], $0xffff  }
0xe5: {  	v6 =	vmul.f32 v10, v9;
	v9 =	vld.idx.msk [tilespmem:v3+s26+$0x110 ss:$0x1], $0xffff;
	[tilespmem:v2+s26+$0xFFFFFFA0 ss:$0x1] =	vst.idx.msk $0xffff, v4  }
0xe6: {  	v4 =	vld.idx.msk [tilespmem:v2+s26+$0xFFFFFFB0 ss:$0x1], $0xffff  }
0xe7: {  	[tilespmem:v2+s26+$0xFFFFFE20 ss:$0x1] =	vst.idx.msk $0xffff, v6;
	v6 =	vld.idx.msk [tilespmem:v3+s26+$0x1A0 ss:$0x1], $0xffff  }
0xe8: {  	v7 =	vmul.f32 v8, v7;
	v8 =	vld.idx.msk [tilespmem:v2+s26+$0xFFFFFE30 ss:$0x1], $0xffff  }
0xe9: {  	v10 =	vld.idx.msk [tilespmem:v3+s26+$0x20 ss:$0x1], $0xffff  }
0xea: {  	v15 =	vld.idx.msk [tilespmem:v3+s28+$0x0 ss:$0x1], $0xffff;
	[tilespmem:v2+s26+$0xFFFFFEA0 ss:$0x1] =	vst.idx.msk $0xffff, v7;
	v5 =	vmul.f32 v9, v5  }
0xeb: {  	v7 =	vld.idx.msk [tilespmem:v2+s26+$0xFFFFFEB0 ss:$0x1], $0xffff  }
0xec: {  	v9 =	vld.idx.msk [tilespmem:v3+s26+$0xA0 ss:$0x1], $0xffff;
	[tilespmem:v2+s26+$0xFFFFFF20 ss:$0x1] =	vst.idx.msk $0xffff, v5;
	v4 =	vmul.f32 v6, v4  }
0xed: {  	v5 =	vld.idx.msk [tilespmem:v2+s26+$0xFFFFFF30 ss:$0x1], $0xffff  }
0xee: {  	v6 =	vmul.f32 v10, v8;
	v8 =	vld.idx.msk [tilespmem:v3+s26+$0x120 ss:$0x1], $0xffff;
	[tilespmem:v2+s26+$0xFFFFFFB0 ss:$0x1] =	vst.idx.msk $0xffff, v4  }
0xef: {  	v4 =	vld.idx.msk [tilespmem:v2+s26+$0xFFFFFFC0 ss:$0x1], $0xffff  }
0xf0: {  	[tilespmem:v2+s26+$0xFFFFFE30 ss:$0x1] =	vst.idx.msk $0xffff, v6;
	v6 =	vld.idx.msk [tilespmem:v3+s26+$0x1B0 ss:$0x1], $0xffff  }
0xf1: {  	v7 =	vmul.f32 v9, v7;
	v9 =	vld.idx.msk [tilespmem:v2+s26+$0xFFFFFE40 ss:$0x1], $0xffff  }
0xf2: {  	v10 =	vld.idx.msk [tilespmem:v3+s26+$0x30 ss:$0x1], $0xffff  }
0xf3: {  	v16 =	vld.idx.msk [tilespmem:v3+s28+$0x80 ss:$0x1], $0xffff;
	[tilespmem:v2+s26+$0xFFFFFEB0 ss:$0x1] =	vst.idx.msk $0xffff, v7;
	v5 =	vmul.f32 v8, v5  }
0xf4: {  	v7 =	vld.idx.msk [tilespmem:v2+s26+$0xFFFFFEC0 ss:$0x1], $0xffff  }
0xf5: {  	v8 =	vld.idx.msk [tilespmem:v3+s26+$0xB0 ss:$0x1], $0xffff;
	[tilespmem:v2+s26+$0xFFFFFF30 ss:$0x1] =	vst.idx.msk $0xffff, v5;
	v4 =	vmul.f32 v6, v4  }
0xf6: {  	v5 =	vld.idx.msk [tilespmem:v2+s26+$0xFFFFFF40 ss:$0x1], $0xffff  }
0xf7: {  	v6 =	vmul.f32 v10, v9;
	v9 =	vld.idx.msk [tilespmem:v3+s26+$0x130 ss:$0x1], $0xffff;
	[tilespmem:v2+s26+$0xFFFFFFC0 ss:$0x1] =	vst.idx.msk $0xffff, v4  }
0xf8: {  	v4 =	vld.idx.msk [tilespmem:v2+s26+$0xFFFFFFD0 ss:$0x1], $0xffff  }
0xf9: {  	[tilespmem:v2+s26+$0xFFFFFE40 ss:$0x1] =	vst.idx.msk $0xffff, v6;
	v6 =	vld.idx.msk [tilespmem:v3+s26+$0x1C0 ss:$0x1], $0xffff  }
0xfa: {  	v7 =	vmul.f32 v8, v7;
	v8 =	vld.idx.msk [tilespmem:v2+s26+$0xFFFFFE50 ss:$0x1], $0xffff  }
0xfb: {  	v10 =	vld.idx.msk [tilespmem:v3+s26+$0x40 ss:$0x1], $0xffff  }
0xfc: {  	v48 =	vld.idx.msk [tilespmem:v3+s28+$0x100 ss:$0x1], $0xffff;
	v12 =	vmul.f32 v13, v12;
	[tilespmem:v2+s26+$0xFFFFFEC0 ss:$0x1] =	vst.idx.msk $0xffff, v7  }
0xfd: {  	v7 =	vld.idx.msk [tilespmem:v2+s26+$0xFFFFFED0 ss:$0x1], $0xffff  }
0xfe: {  	[tilespmem:v2+s28+$0xFFFFFF90 ss:$0x1] =	vst.idx.msk $0xffff, v12;
	v5 =	vmul.f32 v9, v5;
	v9 =	vld.idx.msk [tilespmem:v3+s26+$0xC0 ss:$0x1], $0xffff;
	v4 =	vmul.f32 v6, v4  }
0xff: {  	v12 =	vld.idx.msk [tilespmem:v2+s28+$0xFFFFFFA0 ss:$0x1], $0xffff  }
0x100: {  	v49 =	vld.idx.msk [tilespmem:v3+s28+$0x190 ss:$0x1], $0xffff;
	v6 =	vmul.f32 v10, v8;
	[tilespmem:v2+s26+$0xFFFFFFD0 ss:$0x1] =	vst.idx.msk $0xffff, v4  }
0x101: {  	v4 =	vld.idx.msk [tilespmem:v2+s26+$0xFFFFFFE0 ss:$0x1], $0xffff  }
0x102: {  	v14 =	vmul.f32 v15, v14;
	v15 =	vmul.f32 v48, v17;
	[tilespmem:v2+s26+$0xFFFFFE50 ss:$0x1] =	vst.idx.msk $0xffff, v6;
	v6 =	vld.idx.msk [tilespmem:v3+s26+$0x1D0 ss:$0x1], $0xffff  }
0x103: {  	v7 =	vmul.f32 v9, v7;
	v9 =	vld.idx.msk [tilespmem:v2+s26+$0xFFFFFE60 ss:$0x1], $0xffff  }
0x104: {  	[tilespmem:v2+s28+$0xFFFFFF10 ss:$0x1] =	vst.idx.msk $0xffff, v15;
	v10 =	vld.idx.msk [tilespmem:v3+s26+$0x50 ss:$0x1], $0xffff  }
0x105: {  	v15 =	vld.idx.msk [tilespmem:v2+s28+$0xFFFFFF20 ss:$0x1], $0xffff  }
0x106: {  	v53 =	vld.idx.msk [tilespmem:v3+s28+$0x110 ss:$0x1], $0xffff;
	[tilespmem:v2+s26+$0xFFFFFF40 ss:$0x1] =	vst.idx.msk $0xffff, v5  }
0x107: {  	v5 =	vld.idx.msk [tilespmem:v2+s26+$0xFFFFFF50 ss:$0x1], $0xffff;
	v4 =	vmul.f32 v6, v4  }
0x108: {  	[tilespmem:v2+s28+$0xFFFFFE10 ss:$0x1] =	vst.idx.msk $0xffff, v14;
	v8 =	vld.idx.msk [tilespmem:v3+s26+$0x140 ss:$0x1], $0xffff  }
0x109: {  	v50 =	vld.idx.msk [tilespmem:v2+s28+$0xFFFFFE20 ss:$0x1], $0xffff;
	v6 =	vmul.f32 v10, v9;
	[tilespmem:v2+s26+$0xFFFFFFE0 ss:$0x1] =	vst.idx.msk $0xffff, v4  }
0x10a: {  	[tilespmem:v2+s26+$0xFFFFFED0 ss:$0x1] =	vst.idx.msk $0xffff, v7;
	v4 =	vld.idx.msk [tilespmem:v2+s26+$0xFFFFFFF0 ss:$0x1], $0xffff  }
0x10b: {  	v12 =	vmul.f32 v49, v12;
	[tilespmem:v2+s26+$0xFFFFFE60 ss:$0x1] =	vst.idx.msk $0xffff, v6;
	v6 =	vld.idx.msk [tilespmem:v3+s26+$0x1E0 ss:$0x1], $0xffff  }
0x10c: {  	v15 =	vmul.f32 v53, v15;
	v7 =	vld.idx.msk [tilespmem:v2+s26+$0xFFFFFEE0 ss:$0x1], $0xffff  }
0x10d: {  	[tilespmem:v2+s28+$0xFFFFFFA0 ss:$0x1] =	vst.idx.msk $0xffff, v12;
	v5 =	vmul.f32 v8, v5;
	v8 =	vld.idx.msk [tilespmem:v3+s26+$0xD0 ss:$0x1], $0xffff  }
0x10e: {  	[tilespmem:v2+s28+$0xFFFFFF20 ss:$0x1] =	vst.idx.msk $0xffff, v15;
	v12 =	vld.idx.msk [tilespmem:v2+s28+$0xFFFFFFB0 ss:$0x1], $0xffff  }
0x10f: {  	v15 =	vld.idx.msk [tilespmem:v2+s28+$0xFFFFFF30 ss:$0x1], $0xffff  }
0x110: {  	[tilespmem:v2+s26+$0xFFFFFF50 ss:$0x1] =	vst.idx.msk $0xffff, v5;
	v4 =	vmul.f32 v6, v4;
	v6 =	vld.idx.msk [tilespmem:v2+s28+$0xFFFFFE90 ss:$0x1], $0xffff  }
0x111: {  	v5 =	vld.idx.msk [tilespmem:v2+s26+$0xFFFFFF60 ss:$0x1], $0xffff  }
0x112: {  	v7 =	vmul.f32 v8, v7;
	v8 =	vld.idx.msk [tilespmem:v3+s28+$0x10 ss:$0x1], $0xffff  }
0x113: {  	v9 =	vld.idx.msk [tilespmem:v3+s26+$0x150 ss:$0x1], $0xffff  }
0x114: {  	v10 =	vld.idx.msk [tilespmem:v2+s26+$0xFFFFFE70 ss:$0x1], $0xffff  }
0x115: {  	v11 =	vld.idx.msk [tilespmem:v3+s26+$0x60 ss:$0x1], $0xffff;
	[tilespmem:v2+s26+$0xFFFFFEE0 ss:$0x1] =	vst.idx.msk $0xffff, v7;
	v6 =	vmul.f32 v16, v6  }
0x116: {  	v51 =	vld.idx.msk [tilespmem:v2+s26+$0xFFFFFEF0 ss:$0x1], $0xffff  }
0x117: {  	v52 =	vld.idx.msk [tilespmem:v3+s26+$0xE0 ss:$0x1], $0xffff;
	v8 =	vmul.f32 v8, v50;
	[tilespmem:v2+s28+$0xFFFFFE90 ss:$0x1] =	vst.idx.msk $0xffff, v6  }
0x118: {  	v6 =	vld.idx.msk [tilespmem:v2+s28+$0xFFFFFEA0 ss:$0x1], $0xffff  }
0x119: {  	v5 =	vmul.f32 v9, v5;
	[tilespmem:v2+s28+$0xFFFFFE20 ss:$0x1] =	vst.idx.msk $0xffff, v8;
	v7 =	vld.idx.msk [tilespmem:v3+s28+$0x90 ss:$0x1], $0xffff  }
0x11a: {  	v8 =	vld.idx.msk [tilespmem:v2+s28+$0xFFFFFE30 ss:$0x1], $0xffff  }
0x11b: {  	[tilespmem:v2+s26+$0xFFFFFF60 ss:$0x1] =	vst.idx.msk $0xffff, v5;
	v9 =	vld.idx.msk [tilespmem:v3+s28+$0x20 ss:$0x1], $0xffff  }
0x11c: {  	v54 =	vld.idx.msk [tilespmem:v2+s26+$0xFFFFFF70 ss:$0x1], $0xffff  }
0x11d: {  	v55 =	vld.idx.msk [tilespmem:v3+s26+$0x160 ss:$0x1], $0xffff  }
0x11e: {  	[tilespmem:v2+s26+$0xFFFFFFF0 ss:$0x1] =	vst.idx.msk $0xffff, v4;
	v6 =	vmul.f32 v7, v6;
	v7 =	vld.idx.msk [tilespmem:v3+s28+$0x1A0 ss:$0x1], $0xffff  }
0x11f: {  	v4 =	vld.idx.msk [tilespmem:v2+s26+$0x0 ss:$0x1], $0xffff  }
0x120: {  	v8 =	vmul.f32 v9, v8;
	v9 =	vld.idx.msk [tilespmem:v3+s28+$0x120 ss:$0x1], $0xffff;
	[tilespmem:v2+s28+$0xFFFFFEA0 ss:$0x1] =	vst.idx.msk $0xffff, v6  }
0x121: {  	v6 =	vld.idx.msk [tilespmem:v2+s28+$0xFFFFFEB0 ss:$0x1], $0xffff  }
0x122: {  	[tilespmem:v2+s28+$0xFFFFFE30 ss:$0x1] =	vst.idx.msk $0xffff, v8;
	v5 =	vld.idx.msk [tilespmem:v3+s28+$0xA0 ss:$0x1], $0xffff  }
0x123: {  	v8 =	vld.idx.msk [tilespmem:v2+s28+$0xFFFFFE40 ss:$0x1], $0xffff;
	v7 =	vmul.f32 v7, v12  }
0x124: {  	v10 =	vmul.f32 v11, v10;
	v11 =	vld.idx.msk [tilespmem:v3+s28+$0x30 ss:$0x1], $0xffff  }
0x125: {  	v47 =	vld.idx.msk [tilespmem:v3+s26+$0x1F0 ss:$0x1], $0xffff;
	v9 =	vmul.f32 v9, v15;
	[tilespmem:v2+s28+$0xFFFFFFB0 ss:$0x1] =	vst.idx.msk $0xffff, v7  }
0x126: {  	v7 =	vld.idx.msk [tilespmem:v2+s28+$0xFFFFFFC0 ss:$0x1], $0xffff  }
0x127: {  	[tilespmem:v2+s28+$0xFFFFFF30 ss:$0x1] =	vst.idx.msk $0xffff, v9;
	v5 =	vmul.f32 v5, v6;
	v6 =	vld.idx.msk [tilespmem:v3+s28+$0x1B0 ss:$0x1], $0xffff  }
0x128: {  	v9 =	vld.idx.msk [tilespmem:v2+s28+$0xFFFFFF40 ss:$0x1], $0xffff  }
0x129: {  	[tilespmem:v2+s26+$0xFFFFFE70 ss:$0x1] =	vst.idx.msk $0xffff, v10;
	v8 =	vmul.f32 v11, v8;
	v11 =	vld.idx.msk [tilespmem:v3+s28+$0x130 ss:$0x1], $0xffff  }
0x12a: {  	v56 =	vld.idx.msk [tilespmem:v2+s26+$0xFFFFFE80 ss:$0x1], $0xffff;
	[tilespmem:v2+s28+$0xFFFFFEB0 ss:$0x1] =	vst.idx.msk $0xffff, v5  }
0x12b: {  	v14 =	vmul.f32 v52, v51;
	v5 =	vld.idx.msk [tilespmem:v2+s28+$0xFFFFFEC0 ss:$0x1], $0xffff  }
0x12c: {  	[tilespmem:v2+s28+$0xFFFFFE40 ss:$0x1] =	vst.idx.msk $0xffff, v8;
	v10 =	vld.idx.msk [tilespmem:v3+s28+$0xB0 ss:$0x1], $0xffff;
	v6 =	vmul.f32 v6, v7  }
0x12d: {  	[tilespmem:v2+s26+$0xFFFFFEF0 ss:$0x1] =	vst.idx.msk $0xffff, v14;
	v57 =	vld.idx.msk [tilespmem:v3+s28+$0x40 ss:$0x1], $0xffff  }
0x12e: {  	v9 =	vmul.f32 v11, v9;
	v11 =	vld.idx.msk [tilespmem:v2+s26+$0xFFFFFF00 ss:$0x1], $0xffff;
	[tilespmem:v2+s28+$0xFFFFFFC0 ss:$0x1] =	vst.idx.msk $0xffff, v6  }
0x12f: {  	v6 =	vld.idx.msk [tilespmem:v2+s28+$0xFFFFFFD0 ss:$0x1], $0xffff  }
0x130: {  	v8 =	vld.idx.msk [tilespmem:v3+s28+$0x1C0 ss:$0x1], $0xffff  }
0x131: {  	[tilespmem:v2+s28+$0xFFFFFF40 ss:$0x1] =	vst.idx.msk $0xffff, v9;
	v9 =	vld.idx.msk [tilespmem:v3+s26+$0xF0 ss:$0x1], $0xffff;
	v5 =	vmul.f32 v10, v5  }
0x132: {  	v10 =	vld.idx.msk [tilespmem:v2+s28+$0xFFFFFE50 ss:$0x1], $0xffff  }
0x133: {  	v59 =	vld.idx.msk [tilespmem:v3+s28+$0x140 ss:$0x1], $0xffff;
	[tilespmem:v2+s28+$0xFFFFFEC0 ss:$0x1] =	vst.idx.msk $0xffff, v5  }
0x134: {  	v5 =	vld.idx.msk [tilespmem:v2+s28+$0xFFFFFED0 ss:$0x1], $0xffff  }
0x135: {  	v58 =	vld.idx.msk [tilespmem:v3+s28+$0xC0 ss:$0x1], $0xffff;
	v6 =	vmul.f32 v8, v6  }
0x136: {  	v7 =	vld.idx.msk [tilespmem:v3+s26+$0x70 ss:$0x1], $0xffff  }
0x137: {  	v8 =	vld.idx.msk [tilespmem:v2+s28+$0xFFFFFF50 ss:$0x1], $0xffff;
	v10 =	vmul.f32 v57, v10;
	[tilespmem:v2+s28+$0xFFFFFFD0 ss:$0x1] =	vst.idx.msk $0xffff, v6  }
0x138: {  	v6 =	vld.idx.msk [tilespmem:v2+s28+$0xFFFFFFE0 ss:$0x1], $0xffff  }
0x139: {  	v12 =	vmul.f32 v55, v54;
	[tilespmem:v2+s28+$0xFFFFFE50 ss:$0x1] =	vst.idx.msk $0xffff, v10;
	v10 =	vld.idx.msk [tilespmem:v3+s28+$0x1D0 ss:$0x1], $0xffff  }
0x13a: {  	v5 =	vmul.f32 v58, v5;
	v60 =	vld.idx.msk [tilespmem:v2+s28+$0xFFFFFE60 ss:$0x1], $0xffff  }
0x13b: {  	[tilespmem:v2+s26+$0xFFFFFF70 ss:$0x1] =	vst.idx.msk $0xffff, v12;
	v61 =	vld.idx.msk [tilespmem:v3+s28+$0x50 ss:$0x1], $0xffff  }
0x13c: {  	[tilespmem:v2+s28+$0xFFFFFED0 ss:$0x1] =	vst.idx.msk $0xffff, v5;
	v5 =	vmul.f32 v59, v8;
	v8 =	vmul.f32 v47, v4;
	v4 =	vld.idx.msk [tilespmem:v2+s26+$0xFFFFFF80 ss:$0x1], $0xffff  }
0x13d: {  	v18 =	vld.idx.msk [tilespmem:v2+s28+$0xFFFFFEE0 ss:$0x1], $0xffff  }
0x13e: {  	v62 =	vld.idx.msk [tilespmem:v3+s28+$0xD0 ss:$0x1], $0xffff  }
0x13f: {  	[tilespmem:v2+s28+$0xFFFFFF50 ss:$0x1] =	vst.idx.msk $0xffff, v5;
	v5 =	vld.idx.msk [tilespmem:v3+s26+$0x170 ss:$0x1], $0xffff;
	v10 =	vmul.f32 v10, v6  }
0x140: {  	v7 =	vmul.f32 v7, v56;
	[tilespmem:v2+s26+$0x0 ss:$0x1] =	vst.idx.msk $0xffff, v8;
	v6 =	vld.idx.msk [tilespmem:v2+s28+$0xFFFFFF60 ss:$0x1], $0xffff  }
0x141: {  	s3 =	smul.u32 $0x5000, s24;
	v63 =	vmul.f32 v61, v60;
	v8 =	vld.idx.msk [tilespmem:v3+s28+$0x150 ss:$0x1], $0xffff;
	[tilespmem:v2+s28+$0xFFFFFFE0 ss:$0x1] =	vst.idx.msk $0xffff, v10  }
0x142: {  	v9 =	vmul.f32 v9, v11;
	[tilespmem:v2+s26+$0xFFFFFE80 ss:$0x1] =	vst.idx.msk $0xffff, v7;
	v7 =	vld.idx.msk [tilespmem:v2+s28+$0xFFFFFFF0 ss:$0x1], $0xffff  }
0x143: {  	s30 =	sand.u32 $0xFF, s29;
	s0 =	sshrl.u32 s3, $0x2;
	[tilespmem:v2+s28+$0xFFFFFE60 ss:$0x1] =	vst.idx.msk $0xffff, v63;
	v10 =	vld.idx.msk [tilespmem:v3+s28+$0x1E0 ss:$0x1], $0xffff;
	v11 =	vmul.f32 v62, v18  }
0x144: {  	s31 =	simm.s32 $0x4;
	s29 =	sadd.s32 $0x640, s0;
	s0 =	simm.s32 $0x1000;
	[tilespmem:v2+s26+$0xFFFFFF00 ss:$0x1] =	vst.idx.msk $0xffff, v9;
	v9 =	vld.idx.msk [tilespmem:v2+s28+$0xFFFFFE70 ss:$0x1], $0xffff  }
.LBB2_9:
0x145: {  	s3 =	sshra.s32 s0, $0x2;
	v12 =	vld.idx.msk [tilespmem:v3+s28+$0x60 ss:$0x1], $0xffff;
	[tilespmem:v2+s28+$0xFFFFFEE0 ss:$0x1] =	vst.idx.msk $0xffff, v11;
	v4 =	vmul.f32 v5, v4  }
0x146: {  	v5 =	vld.idx.msk [tilespmem:v2+s3+$0xFFFFFF90 ss:$0x1], $0xffff  }
0x147: {  	v6 =	vmul.f32 v8, v6;
	v11 =	vld.idx.msk [tilespmem:v3+s3+$0x180 ss:$0x1], $0xffff;
	[tilespmem:v2+s26+$0xFFFFFF80 ss:$0x1] =	vst.idx.msk $0xffff, v4;
	s26 =	smov.u32 s28;
	s28 =	smov.u32 s3  }
0x148: {  	v4 =	vld.idx.msk [tilespmem:v2+s28+$0xFFFFFE10 ss:$0x1], $0xffff  }
0x149: {  	v8 =	vld.idx.msk [tilespmem:v3+s28+$0x0 ss:$0x1], $0xffff;
	[tilespmem:v2+s26+$0xFFFFFF60 ss:$0x1] =	vst.idx.msk $0xffff, v6;
	v6 =	vmul.f32 v10, v7  }
0x14a: {  	v7 =	vld.idx.msk [tilespmem:v2+s28+$0xFFFFFE90 ss:$0x1], $0xffff  }
0x14b: {  	v9 =	vmul.f32 v12, v9;
	v10 =	vld.idx.msk [tilespmem:v3+s28+$0x80 ss:$0x1], $0xffff;
	[tilespmem:v2+s26+$0xFFFFFFF0 ss:$0x1] =	vst.idx.msk $0xffff, v6  }
0x14c: {  	v6 =	vld.idx.msk [tilespmem:v2+s26+$0x0 ss:$0x1], $0xffff  }
0x14d: {  	s31 =	sadd.s32 $0x4, s31;
	v5 =	vmul.f32 v11, v5;
	[tilespmem:v2+s26+$0xFFFFFE70 ss:$0x1] =	vst.idx.msk $0xffff, v9;
	v9 =	vld.idx.msk [tilespmem:v3+s26+$0x1F0 ss:$0x1], $0xffff  }
0x14e: {  	p0 =	slt.u32 s31, $0x24;
	v11 =	vld.idx.msk [tilespmem:v2+s28+$0xFFFFFF10 ss:$0x1], $0xffff  }
0x14f: {  	v4 =	vmul.f32 v8, v4;
	v8 =	vld.idx.msk [tilespmem:v3+s28+$0x100 ss:$0x1], $0xffff;
	[tilespmem:v2+s28+$0xFFFFFF90 ss:$0x1] =	vst.idx.msk $0xffff, v5  }
0x150: {  	v5 =	vld.idx.msk [tilespmem:v2+s28+$0xFFFFFFA0 ss:$0x1], $0xffff  }
0x151: {  	[tilespmem:v2+s28+$0xFFFFFE10 ss:$0x1] =	vst.idx.msk $0xffff, v4;
	v4 =	vmul.f32 v10, v7;
	v7 =	vld.idx.msk [tilespmem:v3+s28+$0x190 ss:$0x1], $0xffff  }
0x152: {  	v10 =	vld.idx.msk [tilespmem:v2+s28+$0xFFFFFE20 ss:$0x1], $0xffff  }
0x153: {  	v12 =	vld.idx.msk [tilespmem:v3+s28+$0x10 ss:$0x1], $0xffff;
	[tilespmem:v2+s28+$0xFFFFFE90 ss:$0x1] =	vst.idx.msk $0xffff, v4;
	v4 =	vmul.f32 v9, v6  }
0x154: {  	v6 =	vld.idx.msk [tilespmem:v2+s28+$0xFFFFFEA0 ss:$0x1], $0xffff  }
0x155: {  	v8 =	vmul.f32 v8, v11;
	v9 =	vld.idx.msk [tilespmem:v3+s28+$0x90 ss:$0x1], $0xffff;
	[tilespmem:v2+s26+$0x0 ss:$0x1] =	vst.idx.msk $0xffff, v4  }
0x156: {  	v4 =	vld.idx.msk [tilespmem:v2+s26+$0xFFFFFEF0 ss:$0x1], $0xffff  }
0x157: {  	v5 =	vmul.f32 v7, v5;
	[tilespmem:v2+s28+$0xFFFFFF10 ss:$0x1] =	vst.idx.msk $0xffff, v8;
	v7 =	vld.idx.msk [tilespmem:v3+s26+$0xE0 ss:$0x1], $0xffff  }
0x158: {  	v8 =	vld.idx.msk [tilespmem:v2+s28+$0xFFFFFF20 ss:$0x1], $0xffff  }
0x159: {  	v10 =	vmul.f32 v12, v10;
	v11 =	vld.idx.msk [tilespmem:v3+s28+$0x110 ss:$0x1], $0xffff;
	[tilespmem:v2+s28+$0xFFFFFFA0 ss:$0x1] =	vst.idx.msk $0xffff, v5  }
0x15a: {  	v5 =	vld.idx.msk [tilespmem:v2+s28+$0xFFFFFFB0 ss:$0x1], $0xffff  }
0x15b: {  	v6 =	vmul.f32 v9, v6;
	[tilespmem:v2+s28+$0xFFFFFE20 ss:$0x1] =	vst.idx.msk $0xffff, v10;
	v9 =	vld.idx.msk [tilespmem:v3+s28+$0x1A0 ss:$0x1], $0xffff  }
0x15c: {  	v10 =	vld.idx.msk [tilespmem:v2+s28+$0xFFFFFE30 ss:$0x1], $0xffff  }
0x15d: {  	v4 =	vmul.f32 v7, v4;
	v12 =	vld.idx.msk [tilespmem:v3+s28+$0x20 ss:$0x1], $0xffff;
	[tilespmem:v2+s28+$0xFFFFFEA0 ss:$0x1] =	vst.idx.msk $0xffff, v6  }
0x15e: {  	v6 =	vld.idx.msk [tilespmem:v2+s28+$0xFFFFFEB0 ss:$0x1], $0xffff  }
0x15f: {  	v8 =	vmul.f32 v11, v8;
	v7 =	vld.idx.msk [tilespmem:v3+s28+$0xA0 ss:$0x1], $0xffff;
	[tilespmem:v2+s26+$0xFFFFFEF0 ss:$0x1] =	vst.idx.msk $0xffff, v4  }
0x160: {  	v4 =	vld.idx.msk [tilespmem:v2+s26+$0xFFFFFF70 ss:$0x1], $0xffff  }
0x161: {  	v5 =	vmul.f32 v9, v5;
	[tilespmem:v2+s28+$0xFFFFFF20 ss:$0x1] =	vst.idx.msk $0xffff, v8;
	v8 =	vld.idx.msk [tilespmem:v3+s26+$0x160 ss:$0x1], $0xffff  }
0x162: {  	v9 =	vld.idx.msk [tilespmem:v2+s28+$0xFFFFFF30 ss:$0x1], $0xffff  }
0x163: {  	v10 =	vmul.f32 v12, v10;
	v11 =	vld.idx.msk [tilespmem:v3+s28+$0x120 ss:$0x1], $0xffff;
	[tilespmem:v2+s28+$0xFFFFFFB0 ss:$0x1] =	vst.idx.msk $0xffff, v5  }
0x164: {  	v5 =	vld.idx.msk [tilespmem:v2+s28+$0xFFFFFFC0 ss:$0x1], $0xffff  }
0x165: {  	v6 =	vmul.f32 v7, v6;
	[tilespmem:v2+s28+$0xFFFFFE30 ss:$0x1] =	vst.idx.msk $0xffff, v10;
	v7 =	vld.idx.msk [tilespmem:v3+s28+$0x1B0 ss:$0x1], $0xffff  }
0x166: {  	v10 =	vld.idx.msk [tilespmem:v2+s28+$0xFFFFFE40 ss:$0x1], $0xffff  }
0x167: {  	v4 =	vmul.f32 v8, v4;
	v12 =	vld.idx.msk [tilespmem:v3+s28+$0x30 ss:$0x1], $0xffff;
	[tilespmem:v2+s28+$0xFFFFFEB0 ss:$0x1] =	vst.idx.msk $0xffff, v6  }
0x168: {  	v6 =	vld.idx.msk [tilespmem:v2+s28+$0xFFFFFEC0 ss:$0x1], $0xffff  }
0x169: {  	v9 =	vmul.f32 v11, v9;
	v8 =	vld.idx.msk [tilespmem:v3+s28+$0xB0 ss:$0x1], $0xffff;
	[tilespmem:v2+s26+$0xFFFFFF70 ss:$0x1] =	vst.idx.msk $0xffff, v4  }
0x16a: {  	v4 =	vld.idx.msk [tilespmem:v2+s26+$0xFFFFFE80 ss:$0x1], $0xffff  }
0x16b: {  	v5 =	vmul.f32 v7, v5;
	[tilespmem:v2+s28+$0xFFFFFF30 ss:$0x1] =	vst.idx.msk $0xffff, v9;
	v7 =	vld.idx.msk [tilespmem:v3+s26+$0x70 ss:$0x1], $0xffff  }
0x16c: {  	v9 =	vld.idx.msk [tilespmem:v2+s28+$0xFFFFFF40 ss:$0x1], $0xffff  }
0x16d: {  	v10 =	vmul.f32 v12, v10;
	v11 =	vld.idx.msk [tilespmem:v3+s28+$0x130 ss:$0x1], $0xffff;
	[tilespmem:v2+s28+$0xFFFFFFC0 ss:$0x1] =	vst.idx.msk $0xffff, v5  }
0x16e: {  	v5 =	vld.idx.msk [tilespmem:v2+s28+$0xFFFFFFD0 ss:$0x1], $0xffff  }
0x16f: {  	v6 =	vmul.f32 v8, v6;
	[tilespmem:v2+s28+$0xFFFFFE40 ss:$0x1] =	vst.idx.msk $0xffff, v10;
	v8 =	vld.idx.msk [tilespmem:v3+s28+$0x1C0 ss:$0x1], $0xffff  }
0x170: {  	v10 =	vld.idx.msk [tilespmem:v2+s28+$0xFFFFFE50 ss:$0x1], $0xffff  }
0x171: {  	v4 =	vmul.f32 v7, v4;
	v12 =	vld.idx.msk [tilespmem:v3+s28+$0x40 ss:$0x1], $0xffff;
	[tilespmem:v2+s28+$0xFFFFFEC0 ss:$0x1] =	vst.idx.msk $0xffff, v6  }
0x172: {  	v6 =	vld.idx.msk [tilespmem:v2+s28+$0xFFFFFED0 ss:$0x1], $0xffff  }
0x173: {  	v9 =	vmul.f32 v11, v9;
	v7 =	vld.idx.msk [tilespmem:v3+s28+$0xC0 ss:$0x1], $0xffff;
	[tilespmem:v2+s26+$0xFFFFFE80 ss:$0x1] =	vst.idx.msk $0xffff, v4  }
0x174: {  	v4 =	vld.idx.msk [tilespmem:v2+s26+$0xFFFFFF00 ss:$0x1], $0xffff  }
0x175: {  	v5 =	vmul.f32 v8, v5;
	[tilespmem:v2+s28+$0xFFFFFF40 ss:$0x1] =	vst.idx.msk $0xffff, v9;
	v8 =	vld.idx.msk [tilespmem:v3+s26+$0xF0 ss:$0x1], $0xffff  }
0x176: {  	v9 =	vld.idx.msk [tilespmem:v2+s28+$0xFFFFFF50 ss:$0x1], $0xffff  }
0x177: {  	v10 =	vmul.f32 v12, v10;
	v11 =	vld.idx.msk [tilespmem:v3+s28+$0x140 ss:$0x1], $0xffff;
	[tilespmem:v2+s28+$0xFFFFFFD0 ss:$0x1] =	vst.idx.msk $0xffff, v5  }
0x178: {  	v5 =	vld.idx.msk [tilespmem:v2+s28+$0xFFFFFFE0 ss:$0x1], $0xffff  }
0x179: {  	v6 =	vmul.f32 v7, v6;
	[tilespmem:v2+s28+$0xFFFFFE50 ss:$0x1] =	vst.idx.msk $0xffff, v10;
	v7 =	vld.idx.msk [tilespmem:v3+s28+$0x1D0 ss:$0x1], $0xffff  }
0x17a: {  	v10 =	vld.idx.msk [tilespmem:v2+s28+$0xFFFFFE60 ss:$0x1], $0xffff  }
0x17b: {  	v4 =	vmul.f32 v8, v4;
	v12 =	vld.idx.msk [tilespmem:v3+s28+$0x50 ss:$0x1], $0xffff;
	[tilespmem:v2+s28+$0xFFFFFED0 ss:$0x1] =	vst.idx.msk $0xffff, v6  }
0x17c: {  	v13 =	vld.idx.msk [tilespmem:v2+s28+$0xFFFFFEE0 ss:$0x1], $0xffff  }
0x17d: {  	v6 =	vmul.f32 v11, v9;
	v14 =	vld.idx.msk [tilespmem:v3+s28+$0xD0 ss:$0x1], $0xffff;
	[tilespmem:v2+s26+$0xFFFFFF00 ss:$0x1] =	vst.idx.msk $0xffff, v4  }
0x17e: {  	v4 =	vld.idx.msk [tilespmem:v2+s26+$0xFFFFFF80 ss:$0x1], $0xffff  }
0x17f: {  	v7 =	vmul.f32 v7, v5;
	[tilespmem:v2+s28+$0xFFFFFF50 ss:$0x1] =	vst.idx.msk $0xffff, v6;
	v5 =	vld.idx.msk [tilespmem:v3+s26+$0x170 ss:$0x1], $0xffff  }
.Ltmp3:
0x180: {  	v6 =	vld.idx.msk [tilespmem:v2+s28+$0xFFFFFF60 ss:$0x1], $0xffff;
	(pc) =	sbr.rel @p0 .LBB2_9-.Ltmp3, $4  }
0x181: {  	v9 =	vmul.f32 v12, v10;
	v8 =	vld.idx.msk [tilespmem:v3+s28+$0x150 ss:$0x1], $0xffff;
	[tilespmem:v2+s28+$0xFFFFFFE0 ss:$0x1] =	vst.idx.msk $0xffff, v7  }
0x182: {  	v7 =	vld.idx.msk [tilespmem:v2+s28+$0xFFFFFFF0 ss:$0x1], $0xffff  }
0x183: {  	v11 =	vmul.f32 v14, v13;
	[tilespmem:v2+s28+$0xFFFFFE60 ss:$0x1] =	vst.idx.msk $0xffff, v9;
	v10 =	vld.idx.msk [tilespmem:v3+s28+$0x1E0 ss:$0x1], $0xffff  }
0x184: {  	s0 =	sadd.s32 $0x800, s0;
	v9 =	vld.idx.msk [tilespmem:v2+s28+$0xFFFFFE70 ss:$0x1], $0xffff  }
0x185: {  	_ =	sdelay $0x3  }
0x186: {  	v12 =	vld.idx.msk [tilespmem:v3+s28+$0x60 ss:$0x1], $0xffff;
	[tilespmem:v2+s28+$0xFFFFFEE0 ss:$0x1] =	vst.idx.msk $0xffff, v11;
	v6 =	vmul.f32 v8, v6  }
0x187: {  	v50 =	vld.idx.msk [tilespmem:v2+s28+$0xFFFFFEF0 ss:$0x1], $0xffff  }
0x188: {  	v51 =	vld.idx.msk [tilespmem:v3+s28+$0xE0 ss:$0x1], $0xffff;
	[tilespmem:v2+s28+$0xFFFFFF60 ss:$0x1] =	vst.idx.msk $0xffff, v6  }
0x189: {  	v7 =	vmul.f32 v10, v7;
	v52 =	vld.idx.msk [tilespmem:v2+s28+$0xFFFFFF70 ss:$0x1], $0xffff  }
0x18a: {  	v53 =	vld.idx.msk [tilespmem:v3+s28+$0x160 ss:$0x1], $0xffff  }
0x18b: {  	v9 =	vmul.f32 v12, v9;
	[tilespmem:v2+s28+$0xFFFFFFF0 ss:$0x1] =	vst.idx.msk $0xffff, v7  }
0x18c: {  	v7 =	vld.idx.msk [tilespmem:v2+s28+$0x0 ss:$0x1], $0xffff  }
0x18d: {  	v54 =	vld.idx.msk [tilespmem:v3+s28+$0x1F0 ss:$0x1], $0xffff;
	v6 =	vmul.f32 v51, v50;
	[tilespmem:v2+s28+$0xFFFFFE70 ss:$0x1] =	vst.idx.msk $0xffff, v9  }
0x18e: {  	v55 =	vld.idx.msk [tilespmem:v2+s28+$0xFFFFFE80 ss:$0x1], $0xffff  }
0x18f: {  	[tilespmem:v2+s28+$0xFFFFFEF0 ss:$0x1] =	vst.idx.msk $0xffff, v6;
	v57 =	vld.idx.msk [tilespmem:v3+s28+$0x70 ss:$0x1], $0xffff;
	v56 =	vmul.f32 v53, v52  }
0x190: {  	v58 =	vld.idx.msk [tilespmem:v2+s28+$0xFFFFFF00 ss:$0x1], $0xffff  }
0x191: {  	v59 =	vld.idx.msk [tilespmem:v3+s28+$0xF0 ss:$0x1], $0xffff;
	[tilespmem:v2+s28+$0xFFFFFF70 ss:$0x1] =	vst.idx.msk $0xffff, v56  }
0x192: {  	v60 =	vld.idx.msk [tilespmem:v2+s28+$0xFFFFFF80 ss:$0x1], $0xffff  }
0x193: {  	v3 =	vld.idx.msk [tilespmem:v3+s28+$0x170 ss:$0x1], $0xffff  }
0x194: {  	v4 =	vmul.f32 v5, v4  }
0x195: {  	v61 =	vmul.f32 v54, v7  }
0x196: {  	[tilespmem:v2+s26+$0xFFFFFF80 ss:$0x1] =	vst.idx.msk $0xffff, v4;
	v62 =	vmul.f32 v57, v55  }
0x197: {  	s0 =	sand.u32 $0x1, s25;
	s3 =	smul.u32 $0xA0, s30;
	[tilespmem:v2+s28+$0x0 ss:$0x1] =	vst.idx.msk $0xffff, v61;
	v63 =	vmul.f32 v59, v58  }
0x198: {  	p0 =	seq.s32 s0, $0x1;
	s0 =	simm.s32 $0x190;
	[tilespmem:v2+s28+$0xFFFFFE80 ss:$0x1] =	vst.idx.msk $0xffff, v62;
	v3 =	vmul.f32 v3, v60  }
0x199: {  	s0 =	simm.s32 @!p0 $0x0;
	s3 =	sshrl.u32 s3, $0x2;
	[tilespmem:v2+s28+$0xFFFFFF00 ss:$0x1] =	vst.idx.msk $0xffff, v63  }
0x19a: {  	s0 =	sadd.s32 s3, s0;
	[tilespmem:v2+s28+$0xFFFFFF80 ss:$0x1] =	vst.idx.msk $0xffff, v3  }
0x19b: {  	v2 =	vld [tilespmem:s0+$0x320];
	_ =	sdelay $0x7  }
0x19c: {  	[tilespmem:v2+s16+$0x0] =	vst.idx.add.f32.msk $0xffff, v1  }
0x19d: {  	v2 =	vld [tilespmem:s0+$0x330];
	_ =	sdelay $0x7  }
0x19e: {  	[tilespmem:v2+s16+$0x0] =	vst.idx.add.f32.msk $0xffff, v1  }
0x19f: {  	v2 =	vld [tilespmem:s0+$0x338];
	_ =	sdelay $0x2  }
0x1a0: {  	s23 =	sadd.s32 $0x1, s23  }
0x1a1: {  	p0 =	sne.s32 s23, $0xFA  }
.Ltmp4:
0x1a2: {  	_ = 	snop;
	(pc) =	sbr.rel @p0 .LBB2_6-.Ltmp4, $4  }
0x1a3: {  	_ = 	snop  }
0x1a4: {  	s31 =	sadd.s32 $0xA, s24  }
0x1a5: {  	s21 =	sadd.s32 $0x1400, s21;
	s22 =	sadd.s32 $0x1, s22;
	s0 =	sadd.s32 $0x320, s0;
	[tilespmem:v2+s16+$0x0] =	vst.idx.add.f32.msk vm0, v1  }
0x1a6: {  	[spmem:s2] =	stream.indirect.scatter.add.f32 [tilespmem:s29], [sflag:s31], $0x80, s0, s15, $0xb8;
	[tilespmem:$0x1FA40] =	vst v63  }
0x1a7: {  	_ =	swait.ge [sflag:s17], $0x1400  }
0x1a8: {  	[sflag:s17] =	ssyncset.done $0x0  }
0x1a9: {  	[sflag:s17] =	ssyncadd.s32 $0xFFFFEC00  }
0x1aa: {  	_ =	swait.ge [sflag:s19], $0x1400  }
0x1ab: {  	[sflag:s19] =	ssyncset.done $0x0  }
0x1ac: {  	[sflag:s19] =	ssyncadd.s32 $0xFFFFEC00  }
0x1ad: {  	s0 =	stileid.u32;
	[bflag:$0x0] =	sbarrier.arrive $0xFFFF  }
0x1ae: {  	s0 =	sshll.u32 s0, $0x6;
	s3 =	rddreg [dreg:$0xa]  }
0x1af: {  	s0 =	sor.u32 $0x1C0E, s0;
	s21 =	rddreg [dreg:$0x12]  }
0x1b0: {  	[hbm:s3], [sflag:s0] =	dma.local [spmem:s21], $0x2800  }
0x1b1: {  	_ =	swait.ge [sflag:s13], $0x2800  }
0x1b2: {  	[sflag:s13] =	ssyncset.done $0x0  }
0x1b3: {  	s30 =	rddreg [dreg:$0xb];
	[sflag:s13] =	ssyncadd.s32 $0xFFFFD800  }
0x1b4: {  	[hbm4b:s30+s4] =	stream.linear.scatter [tilespmem:s16], [sflag:$0xE], $0x2800, $0x38;
	[tilespmem:$0x1FA40] =	vst v63  }
0x1b5: {  	_ =	swait.ge [sflag:s13], $0x2800  }
0x1b6: {  	s20 =	sadd.s32 $0x1, s20;
	s31 =	rddreg [dreg:$0xc]  }
0x1b7: {  	p0 =	sne.s32 s20, s31  }
.Ltmp5:
0x1b8: {  	_ = 	snop;
	(pc) =	sbr.rel @p0 .LBB2_1-.Ltmp5, $3  }
0x1b9: {  	_ =	sdelay $0x1  }
0x1ba: {  	[sflag:s13] =	ssyncset.done $0x0  }
0x1bb: {  	[sflag:s13] =	ssyncadd.s32 $0xFFFFD800  }
0x1bc: {  	_ =	sfence.sel $0x180000  }
0x1bd: {  	[bflag:$0x0] =	sbarrier.arrive $0xFFFF  }
0x1be: {  	_ =	strace $0x90000047  }
0x1bf: {  	s0 =	stileid.u32;
	[bflag:$0x2] =	sbarrier.arrive $0xFFFF  }
0x1c0: {  	p0 =	sne.s32 s0, $0x0;
	s0 =	rddreg [dreg:$0x3]  }
0x1c1: {  	s0 =	sadd.s32 @!p0 $0x100000, s0  }
0x1c2: {  	[sflag:s0] =	ssyncadd.tile.s32 @!p0 $0x1;
	_ =	shalt  }
.Lfunc_end2:
_tile_overlayer_lowered:
.L_overlay_start_2:
0x1c3: {  	(tag) =	ssettag $0x2  }
0x1c4: {  	s0 =	rddreg [dreg:$0x0];
	s2 =	stileid.u32  }
0x1c5: {  	s1 =	rddreg [dreg:$0x1];
	p0 =	sne.s32 s2, $0x0  }
0x1c6: {  	s3 =	rddreg [dreg:$0x2];
	[bflag:$0x3] =	sbarrier.arrive $0xFFFF;
	s2 =	simm.s32 @!p0 $0x1C0E  }
0x1c7: {  	[timem:s3], [sflag:s2] =	dma.local @!p0 [hbm:s0], s1  }
0x1c8: {  	s0 =	simm.s32 @!p0 $0xE  }
0x1c9: {  	_ =	swait.ge @!p0 [sflag:s0], s1  }
0x1ca: {  	s1 =	ssub.s32 @!p0 $0x0, s1;
	[sflag:s0] =	ssyncset.done @!p0 $0x0  }
0x1cb: {  	[sflag:s0] =	ssyncadd.s32 @!p0 s1  }
0x1cc: {  	[bflag:$0x3] =	sbarrier.arrive $0xFFFF  }
0x1cd: {  	_ =	shalt  }

</sc_bundles>
